<compile_context>
chip_gen: v7x
topology: tpu7x:2x2x1
jax: 0.10.2.dev20260603
libtpu: 0.0.44.dev20260713+nightly
codegen_flags: <defaults>
</compile_context>

<pallas_src>
import functools

import jax
import jax.numpy as jnp
from jax import lax
from jax.experimental import pallas as pl
from jax.experimental.pallas import tpu as pltpu
from jax.experimental.pallas import tpu_sc as plsc

NUM_CORES = 2
NUM_SUBCORES = 16
NUM_WORKERS = NUM_CORES * NUM_SUBCORES


def _scatter_sum_sc(ei_flat, edge_attr, n_nodes):
    E, H = edge_attr.shape
    N = n_nodes
    assert E % NUM_WORKERS == 0
    epw = E // NUM_WORKERS
    CH = 80
    assert epw % CH == 0
    n_chunks = epw // CH
    NBUF = 4
    PDIST = 3
    rows_per_tile = -(-N // (NUM_SUBCORES * 8)) * 8
    n_pad = rows_per_tile * NUM_SUBCORES
    cnt_per_tile = -(-N // (NUM_SUBCORES * 16)) * 16
    cnt_pad = cnt_per_tile * NUM_SUBCORES

    mesh = plsc.VectorSubcoreMesh(core_axis_name="c", subcore_axis_name="s")

    zero_rows = jnp.zeros((n_pad, H), jnp.float32)
    zero_cnt = jnp.zeros((cnt_pad,), jnp.float32)

    @functools.partial(
        pl.kernel,
        out_type=(
            jax.ShapeDtypeStruct((NUM_CORES, n_pad, H), jnp.float32),
            jax.ShapeDtypeStruct((NUM_CORES, cnt_pad), jnp.float32),
        ),
        mesh=mesh,
        scratch_types=[
            pltpu.VMEM((NBUF, CH, H), jnp.float32),
            pltpu.VMEM((NBUF, CH), jnp.int32),
            pltpu.VMEM((CH,), jnp.float32),
            pltpu.VMEM_SHARED((n_pad, H), jnp.float32),
            pltpu.VMEM_SHARED((cnt_pad,), jnp.float32),
            pltpu.SemaphoreType.DMA((NBUF,)),
            pltpu.SemaphoreType.DMA((NBUF,)),
            pltpu.SemaphoreType.DMA((NBUF,)),
            pltpu.SemaphoreType.DMA((NBUF,)),
        ],
    )
    def sc_kernel(col_hbm, ea_hbm, zrows_hbm, zcnt_hbm,
                  psum_hbm, cnt_hbm,
                  ebuf, ibuf, ones, acc, cnt_sh, esem, isem, ssem, csem):
        c = lax.axis_index("c")
        s = lax.axis_index("s")
        w = c * NUM_SUBCORES + s
        base = w * epw
        cbase = E + base

        def fill_ones(i, _):
            ones[pl.ds(i * 16, 16)] = jnp.ones((16,), jnp.float32)
            return 0
        lax.fori_loop(0, CH // 16, fill_ones, 0)

        def start_loads(k, slot):
            pltpu.async_copy(col_hbm.at[pl.ds(cbase + k * CH, CH)],
                             ibuf.at[slot], isem.at[slot])
            pltpu.async_copy(ea_hbm.at[pl.ds(base + k * CH, CH)],
                             ebuf.at[slot], esem.at[slot])

        def wait_loads(k, slot):
            pltpu.make_async_copy(col_hbm.at[pl.ds(cbase + k * CH, CH)],
                                  ibuf.at[slot], isem.at[slot]).wait()
            pltpu.make_async_copy(ea_hbm.at[pl.ds(base + k * CH, CH)],
                                  ebuf.at[slot], esem.at[slot]).wait()

        def drain_scatters(k, slot):
            pltpu.make_async_copy(ebuf.at[slot], acc.at[ibuf.at[slot]],
                                  ssem.at[slot]).wait()
            pltpu.make_async_copy(ones, cnt_sh.at[ibuf.at[slot]],
                                  csem.at[slot]).wait()

        def issue_scatters(k, slot):
            pltpu.async_copy(ebuf.at[slot], acc.at[ibuf.at[slot]],
                             ssem.at[slot], add=True)
            pltpu.async_copy(ones, cnt_sh.at[ibuf.at[slot]],
                             csem.at[slot], add=True)

        for kp in range(PDIST):
            start_loads(kp, kp)
        pltpu.sync_copy(zrows_hbm.at[pl.ds(s * rows_per_tile, rows_per_tile)],
                        acc.at[pl.ds(s * rows_per_tile, rows_per_tile)])
        pltpu.sync_copy(zcnt_hbm.at[pl.ds(s * cnt_per_tile, cnt_per_tile)],
                        cnt_sh.at[pl.ds(s * cnt_per_tile, cnt_per_tile)])
        plsc.subcore_barrier()

        wait_loads(0, 0)
        issue_scatters(0, 0)
        start_loads(PDIST, PDIST % NBUF)

        def chunk_body(k, _):
            b = lax.rem(k, NBUF)
            wait_loads(k, b)
            issue_scatters(k, b)
            kp = k + PDIST
            bp = lax.rem(kp, NBUF)
            drain_scatters(kp - NBUF, bp)
            start_loads(kp, bp)
            return 0
        lax.fori_loop(1, n_chunks - PDIST, chunk_body, 0)

        for k in range(n_chunks - PDIST, n_chunks):
            b = k % NBUF
            wait_loads(k, b)
            issue_scatters(k, b)

        for t in range(NBUF):
            kd = n_chunks - NBUF + t
            drain_scatters(kd, kd % NBUF)

        plsc.subcore_barrier()

        pltpu.sync_copy(acc.at[pl.ds(s * rows_per_tile, rows_per_tile)],
                        psum_hbm.at[c, pl.ds(s * rows_per_tile, rows_per_tile)])
        pltpu.sync_copy(cnt_sh.at[pl.ds(s * cnt_per_tile, cnt_per_tile)],
                        cnt_hbm.at[c, pl.ds(s * cnt_per_tile, cnt_per_tile)])

    return sc_kernel(ei_flat, edge_attr, zero_rows, zero_cnt)


def _mlp_tc(x, psum, cnt, W1T, b1, gamma, beta, prelu_w, W2T, b2):
    N, H = x.shape
    H2 = 2 * H
    R = 1024
    grid = (pl.cdiv(N, R),)

    def body(x_ref, p_ref, c_ref, w1_ref, b1_ref, g_ref, be_ref, pw_ref,
             w2_ref, b2_ref, y_ref):
        psum_blk = p_ref[0] + p_ref[1]
        cc = c_ref[0] + c_ref[1]
        mean = psum_blk / jnp.clip(cc, 1.0, None)[:, None]
        out = jnp.concatenate([x_ref[...], mean], axis=1)
        h = jnp.dot(out, w1_ref[...], preferred_element_type=jnp.float32) + b1_ref[...]
        mu = jnp.mean(h, axis=1, keepdims=True)
        var = jnp.mean((h - mu) ** 2, axis=1, keepdims=True)
        ln = g_ref[...] * (h - mu) / jnp.sqrt(var + 1e-5) + be_ref[...]
        pw = pw_ref[0, 0]
        pr = jnp.where(ln >= 0, ln, pw * ln)
        y_ref[...] = jnp.dot(pr, w2_ref[...], preferred_element_type=jnp.float32) + b2_ref[...]

    return pl.pallas_call(
        body,
        grid=grid,
        in_specs=[
            pl.BlockSpec((R, H), lambda i: (i, 0)),
            pl.BlockSpec((NUM_CORES, R, H), lambda i: (0, i, 0)),
            pl.BlockSpec((NUM_CORES, R), lambda i: (0, i)),
            pl.BlockSpec((H2, H2), lambda i: (0, 0)),
            pl.BlockSpec((1, H2), lambda i: (0, 0)),
            pl.BlockSpec((1, H2), lambda i: (0, 0)),
            pl.BlockSpec((1, H2), lambda i: (0, 0)),
            pl.BlockSpec(memory_space=pltpu.SMEM),
            pl.BlockSpec((H2, H), lambda i: (0, 0)),
            pl.BlockSpec((1, H), lambda i: (0, 0)),
        ],
        out_specs=pl.BlockSpec((R, H), lambda i: (i, 0)),
        out_shape=jax.ShapeDtypeStruct((N, H), jnp.float32),
    )(x, psum, cnt, W1T, b1, gamma, beta, prelu_w, W2T, b2)


def kernel(x, edge_index, edge_attr, W1, b1, gamma, beta, prelu_w, W2, b2):
    N, H = x.shape
    psum, cnt = _scatter_sum_sc(edge_index.reshape(-1), edge_attr, N)
    return _mlp_tc(
        x, psum, cnt,
        W1.T, b1.reshape(1, -1), gamma.reshape(1, -1), beta.reshape(1, -1),
        prelu_w.reshape(1, 1), W2.T, b2.reshape(1, -1),
    )

# --- scband reference (transcript-rebuilt; emitter-appended) ---
"""Pipeline reference for scband-node-model-1589137900000 (READ-ONLY COPY).

The authoritative reference and input builder live on the scoring server;
editing this copy changes nothing except your own understanding.
"""

import jax, jax.numpy as jnp
import numpy as np

N = 10000
E = 320000
H = 128

def setup_inputs(seed: int = 0) -> dict:
    key = jax.random.key(seed)
    ks = jax.random.split(key, 10)
    x = jax.random.normal(ks[0], (N, H), dtype=jnp.float32)
    edge_index = jax.random.randint(ks[1], (2, E), 0, N, dtype=jnp.int32)
    edge_attr = jax.random.normal(ks[2], (E, H), dtype=jnp.float32)
    # node_mlp_2 parameters (node_mlp_1 is unused in forward)
    W1 = jax.random.normal(ks[3], (2 * H, 2 * H), dtype=jnp.float32) / np.sqrt(2 * H)
    b1 = jnp.zeros((2 * H,), dtype=jnp.float32)
    gamma = jnp.ones((2 * H,), dtype=jnp.float32)
    beta = jnp.zeros((2 * H,), dtype=jnp.float32)
    prelu_w = jnp.array(0.25, dtype=jnp.float32)
    W2 = jax.random.normal(ks[4], (H, 2 * H), dtype=jnp.float32) / np.sqrt(2 * H)
    b2 = jnp.zeros((H,), dtype=jnp.float32)
    return {"x": x, "edge_index": edge_index, "edge_attr": edge_attr,
            "W1": W1, "b1": b1, "gamma": gamma, "beta": beta,
            "prelu_w": prelu_w, "W2": W2, "b2": b2}

def reference(x, edge_index, edge_attr, W1, b1, gamma, beta, prelu_w, W2, b2):
    col = edge_index[1]
    # scatter_mean(edge_attr, col, dim=0, dim_size=N)
    summed = jax.ops.segment_sum(edge_attr, col, num_segments=N)
    counts = jax.ops.segment_sum(jnp.ones((edge_attr.shape[0],), dtype=jnp.float32), col, num_segments=N)
    mean = summed / jnp.clip(counts, 1.0, None)[:, None]
    out = jnp.concatenate([x, mean], axis=1)
    # node_mlp_2: Linear -> LayerNorm -> PReLU -> Linear
    h = out @ W1.T + b1
    mu = jnp.mean(h, axis=-1, keepdims=True)
    var = jnp.var(h, axis=-1, keepdims=True)
    ln = gamma * (h - mu) / jnp.sqrt(var + 1e-5) + beta
    pr = jnp.where(ln >= 0, ln, prelu_w * ln)
    y = pr @ W2.T + b2
    return y

if __name__ == "__main__":
    import jax
    _d = setup_inputs()
    print(jax.jit(kernel)(*tuple(_d.values())))

</pallas_src>

<mosaic_0001>
#map = affine_map<(d0, d1) -> (0)>
#map1 = affine_map<(d0, d1) -> (0, 0)>
#map2 = affine_map<(d0, d1) -> (0, 0, 0)>
module attributes {stable_mosaic.version = 14 : i64} {
  func.func @sc_kernel(%arg0: i32, %arg1: i32, %arg2: memref<640000xi32, #tpu.memory_space<hbm>>, %arg3: memref<320000x128xf32, #tpu.memory_space<hbm>>, %arg4: memref<10112x128xf32, #tpu.memory_space<hbm>>, %arg5: memref<10240xf32, #tpu.memory_space<hbm>>, %arg6: memref<2x10112x128xf32, #tpu.memory_space<hbm>>, %arg7: memref<2x10240xf32, #tpu.memory_space<hbm>>, %arg8: memref<4x80x128xf32, #tpu.memory_space<vmem>>, %arg9: memref<4x80xi32, #tpu.memory_space<vmem>>, %arg10: memref<80xf32, #tpu.memory_space<vmem>>, %arg11: memref<10112x128xf32, #tpu.memory_space<vmem_shared>>, %arg12: memref<10240xf32, #tpu.memory_space<vmem_shared>>, %arg13: memref<4x!tpu.dma_semaphore, #tpu.memory_space<semaphore_mem>>, %arg14: memref<4x!tpu.dma_semaphore, #tpu.memory_space<semaphore_mem>>, %arg15: memref<4x!tpu.dma_semaphore, #tpu.memory_space<semaphore_mem>>, %arg16: memref<4x!tpu.dma_semaphore, #tpu.memory_space<semaphore_mem>>) attributes {dimension_semantics = [#tpu.dimension_semantics<core_parallel>, #tpu.dimension_semantics<subcore_parallel>], iteration_bounds = array<i64: 2, 16>, scalar_prefetch = 0 : i64, scratch_operands = 9 : i64, tpu.core_type = #tpu.core_type<sc_vector_subcore>, window_params = [{transform_indices = #map}, {transform_indices = #map1}, {transform_indices = #map1}, {transform_indices = #map}, {transform_indices = #map2}, {transform_indices = #map1}]} {
    %mul3A = arith.constant 16 : i32
    %mul3A_0 = arith.muli %arg0, %mul3A : i32
    %add3A = arith.addi %mul3A_0, %arg1 : i32
    %mul3A_1 = arith.constant 10000 : i32
    %mul3A_2 = arith.muli %add3A, %mul3A_1 : i32
    %add3A_3 = arith.constant 320000 : i32
    %add3A_4 = arith.addi %add3A_3, %mul3A_2 : i32
    %scan3A = arith.constant 0 : i32
    %scan3A_5 = arith.constant 0 : i32
    %scan3A_6 = arith.constant 5 : i32
    %scan3A_7 = arith.addi %scan3A_5, %scan3A_6 : i32
    %scan3A_8 = arith.constant 1 : i32
    %scan3A_9 = scf.for %scan3A_481 = %scan3A_5 to %scan3A_7 step %scan3A_8 iter_args(%scan3A_482 = %scan3A) -> (i32)  : i32 {
      %broadcast_in_dim3A = arith.constant 1.000000e+00 : f32
      %broadcast_in_dim3A_483 = vector.broadcast %broadcast_in_dim3A : f32 to vector<16xf32>
      %mul3A_484 = arith.constant 16 : i32
      %mul3A_485 = arith.muli %scan3A_481, %mul3A_484 : i32
      %swap3A = arith.index_cast %mul3A_485 : i32 to index
      %swap3A_486 = tpu.vector_load %arg10[%swap3A] {strides = array<i32>} : memref<80xf32, #tpu.memory_space<vmem>>, vector<16xf32>,
      %swap3A_487 = vector.shape_cast %swap3A_486 : vector<16xf32> to vector<16xf32>
      %swap3A_488 = vector.shape_cast %broadcast_in_dim3A_483 : vector<16xf32> to vector<16xf32>
      tpu.vector_store %arg10[%swap3A], %swap3A_488 {strides = array<i32>} : memref<80xf32, #tpu.memory_space<vmem>>, vector<16xf32>,
      %scan3A_489 = arith.constant 0 : i32
      scf.yield %scan3A_489 : i32
    }
    %scan3A_10 = arith.constant 5 : i32
    %add3A_11 = arith.constant 0 : i32
    %add3A_12 = arith.addi %add3A_4, %add3A_11 : i32
    %dma_start3A = arith.constant 0 : i32
    %dma_start3A_13 = arith.constant 0 : i32
    %dma_start3A_14 = arith.constant 0 : i32
    %dma_start3A_15 = tpu.memref_slice %arg9[%dma_start3A, %dma_start3A_14] : memref<4x80xi32, #tpu.memory_space<vmem>> -> memref<1x80xi32, #tpu.memory_space<vmem>>
    %dma_start3A_16 = tpu.memref_squeeze %dma_start3A_15 : memref<1x80xi32, #tpu.memory_space<vmem>> -> memref<80xi32, #tpu.memory_space<vmem>>
    %dma_start3A_17 = tpu.memref_slice %arg2[%add3A_12] : memref<640000xi32, #tpu.memory_space<hbm>> -> memref<80xi32, #tpu.memory_space<hbm>>
    %dma_start3A_18 = tpu.memref_slice %arg14[%dma_start3A_13] : memref<4x!tpu.dma_semaphore, #tpu.memory_space<semaphore_mem>> -> memref<1x!tpu.dma_semaphore, #tpu.memory_space<semaphore_mem>>
    %dma_start3A_19 = tpu.memref_squeeze %dma_start3A_18 : memref<1x!tpu.dma_semaphore, #tpu.memory_space<semaphore_mem>> -> memref<!tpu.dma_semaphore, #tpu.memory_space<semaphore_mem>>
    %dma_start3A_20 = arith.constant 0 : i32
    %dma_start3A_21 = tpu.memref_slice %arg9[%dma_start3A, %dma_start3A_20] : memref<4x80xi32, #tpu.memory_space<vmem>> -> memref<1x80xi32, #tpu.memory_space<vmem>>
    %dma_start3A_22 = tpu.memref_squeeze %dma_start3A_21 : memref<1x80xi32, #tpu.memory_space<vmem>> -> memref<80xi32, #tpu.memory_space<vmem>>
    %dma_start3A_23 = tpu.memref_slice %arg2[%add3A_12] : memref<640000xi32, #tpu.memory_space<hbm>> -> memref<80xi32, #tpu.memory_space<hbm>>
    tpu.enqueue_dma source(%dma_start3A_23 : memref<80xi32, #tpu.memory_space<hbm>>) target(%dma_start3A_22 : memref<80xi32, #tpu.memory_space<vmem>>) target_semaphore(%dma_start3A_19 : memref<!tpu.dma_semaphore, #tpu.memory_space<semaphore_mem>>)
    %add3A_24 = arith.constant 0 : i32
    %add3A_25 = arith.addi %mul3A_2, %add3A_24 : i32
    %dma_start3A_26 = arith.constant 0 : i32
    %dma_start3A_27 = arith.constant 0 : i32
    %dma_start3A_28 = arith.constant 0 : i32
    %dma_start3A_29 = arith.constant 0 : i32
    %dma_start3A_30 = tpu.memref_slice %arg8[%dma_start3A_26, %dma_start3A_28, %dma_start3A_29] : memref<4x80x128xf32, #tpu.memory_space<vmem>> -> memref<1x80x128xf32, #tpu.memory_space<vmem>>
    %dma_start3A_31 = tpu.memref_squeeze %dma_start3A_30 : memref<1x80x128xf32, #tpu.memory_space<vmem>> -> memref<80x128xf32, #tpu.memory_space<vmem>>
    %dma_start3A_32 = arith.constant 0 : i32
    %dma_start3A_33 = tpu.memref_slice %arg3[%add3A_25, %dma_start3A_32] : memref<320000x128xf32, #tpu.memory_space<hbm>> -> memref<80x128xf32, #tpu.memory_space<hbm>>
    %dma_start3A_34 = tpu.memref_slice %arg13[%dma_start3A_27] : memref<4x!tpu.dma_semaphore, #tpu.memory_space<semaphore_mem>> -> memref<1x!tpu.dma_semaphore, #tpu.memory_space<semaphore_mem>>
    %dma_start3A_35 = tpu.memref_squeeze %dma_start3A_34 : memref<1x!tpu.dma_semaphore, #tpu.memory_space<semaphore_mem>> -> memref<!tpu.dma_semaphore, #tpu.memory_space<semaphore_mem>>
    %dma_start3A_36 = arith.constant 0 : i32
    %dma_start3A_37 = arith.constant 0 : i32
    %dma_start3A_38 = tpu.memref_slice %arg8[%dma_start3A_26, %dma_start3A_36, %dma_start3A_37] : memref<4x80x128xf32, #tpu.memory_space<vmem>> -> memref<1x80x128xf32, #tpu.memory_space<vmem>>
    %dma_start3A_39 = tpu.memref_squeeze %dma_start3A_38 : memref<1x80x128xf32, #tpu.memory_space<vmem>> -> memref<80x128xf32, #tpu.memory_space<vmem>>
    %dma_start3A_40 = arith.constant 0 : i32
    %dma_start3A_41 = tpu.memref_slice %arg3[%add3A_25, %dma_start3A_40] : memref<320000x128xf32, #tpu.memory_space<hbm>> -> memref<80x128xf32, #tpu.memory_space<hbm>>
    tpu.enqueue_dma source(%dma_start3A_41 : memref<80x128xf32, #tpu.memory_space<hbm>>) target(%dma_start3A_39 : memref<80x128xf32, #tpu.memory_space<vmem>>) target_semaphore(%dma_start3A_35 : memref<!tpu.dma_semaphore, #tpu.memory_space<semaphore_mem>>)
    %add3A_42 = arith.constant 80 : i32
    %add3A_43 = arith.addi %add3A_4, %add3A_42 : i32
    %dma_start3A_44 = arith.constant 1 : i32
    %dma_start3A_45 = arith.constant 1 : i32
    %dma_start3A_46 = arith.constant 0 : i32
    %dma_start3A_47 = tpu.memref_slice %arg9[%dma_start3A_44, %dma_start3A_46] : memref<4x80xi32, #tpu.memory_space<vmem>> -> memref<1x80xi32, #tpu.memory_space<vmem>>
    %dma_start3A_48 = tpu.memref_squeeze %dma_start3A_47 : memref<1x80xi32, #tpu.memory_space<vmem>> -> memref<80xi32, #tpu.memory_space<vmem>>
    %dma_start3A_49 = tpu.memref_slice %arg2[%add3A_43] : memref<640000xi32, #tpu.memory_space<hbm>> -> memref<80xi32, #tpu.memory_space<hbm>>
    %dma_start3A_50 = tpu.memref_slice %arg14[%dma_start3A_45] : memref<4x!tpu.dma_semaphore, #tpu.memory_space<semaphore_mem>> -> memref<1x!tpu.dma_semaphore, #tpu.memory_space<semaphore_mem>>
    %dma_start3A_51 = tpu.memref_squeeze %dma_start3A_50 : memref<1x!tpu.dma_semaphore, #tpu.memory_space<semaphore_mem>> -> memref<!tpu.dma_semaphore, #tpu.memory_space<semaphore_mem>>
    %dma_start3A_52 = arith.constant 0 : i32
    %dma_start3A_53 = tpu.memref_slice %arg9[%dma_start3A_44, %dma_start3A_52] : memref<4x80xi32, #tpu.memory_space<vmem>> -> memref<1x80xi32, #tpu.memory_space<vmem>>
    %dma_start3A_54 = tpu.memref_squeeze %dma_start3A_53 : memref<1x80xi32, #tpu.memory_space<vmem>> -> memref<80xi32, #tpu.memory_space<vmem>>
    %dma_start3A_55 = tpu.memref_slice %arg2[%add3A_43] : memref<640000xi32, #tpu.memory_space<hbm>> -> memref<80xi32, #tpu.memory_space<hbm>>
    tpu.enqueue_dma source(%dma_start3A_55 : memref<80xi32, #tpu.memory_space<hbm>>) target(%dma_start3A_54 : memref<80xi32, #tpu.memory_space<vmem>>) target_semaphore(%dma_start3A_51 : memref<!tpu.dma_semaphore, #tpu.memory_space<semaphore_mem>>)
    %add3A_56 = arith.constant 80 : i32
    %add3A_57 = arith.addi %mul3A_2, %add3A_56 : i32
    %dma_start3A_58 = arith.constant 1 : i32
    %dma_start3A_59 = arith.constant 1 : i32
    %dma_start3A_60 = arith.constant 0 : i32
    %dma_start3A_61 = arith.constant 0 : i32
    %dma_start3A_62 = tpu.memref_slice %arg8[%dma_start3A_58, %dma_start3A_60, %dma_start3A_61] : memref<4x80x128xf32, #tpu.memory_space<vmem>> -> memref<1x80x128xf32, #tpu.memory_space<vmem>>
    %dma_start3A_63 = tpu.memref_squeeze %dma_start3A_62 : memref<1x80x128xf32, #tpu.memory_space<vmem>> -> memref<80x128xf32, #tpu.memory_space<vmem>>
    %dma_start3A_64 = arith.constant 0 : i32
    %dma_start3A_65 = tpu.memref_slice %arg3[%add3A_57, %dma_start3A_64] : memref<320000x128xf32, #tpu.memory_space<hbm>> -> memref<80x128xf32, #tpu.memory_space<hbm>>
    %dma_start3A_66 = tpu.memref_slice %arg13[%dma_start3A_59] : memref<4x!tpu.dma_semaphore, #tpu.memory_space<semaphore_mem>> -> memref<1x!tpu.dma_semaphore, #tpu.memory_space<semaphore_mem>>
    %dma_start3A_67 = tpu.memref_squeeze %dma_start3A_66 : memref<1x!tpu.dma_semaphore, #tpu.memory_space<semaphore_mem>> -> memref<!tpu.dma_semaphore, #tpu.memory_space<semaphore_mem>>
    %dma_start3A_68 = arith.constant 0 : i32
    %dma_start3A_69 = arith.constant 0 : i32
    %dma_start3A_70 = tpu.memref_slice %arg8[%dma_start3A_58, %dma_start3A_68, %dma_start3A_69] : memref<4x80x128xf32, #tpu.memory_space<vmem>> -> memref<1x80x128xf32, #tpu.memory_space<vmem>>
    %dma_start3A_71 = tpu.memref_squeeze %dma_start3A_70 : memref<1x80x128xf32, #tpu.memory_space<vmem>> -> memref<80x128xf32, #tpu.memory_space<vmem>>
    %dma_start3A_72 = arith.constant 0 : i32
    %dma_start3A_73 = tpu.memref_slice %arg3[%add3A_57, %dma_start3A_72] : memref<320000x128xf32, #tpu.memory_space<hbm>> -> memref<80x128xf32, #tpu.memory_space<hbm>>
    tpu.enqueue_dma source(%dma_start3A_73 : memref<80x128xf32, #tpu.memory_space<hbm>>) target(%dma_start3A_71 : memref<80x128xf32, #tpu.memory_space<vmem>>) target_semaphore(%dma_start3A_67 : memref<!tpu.dma_semaphore, #tpu.memory_space<semaphore_mem>>)
    %add3A_74 = arith.constant 160 : i32
    %add3A_75 = arith.addi %add3A_4, %add3A_74 : i32
    %dma_start3A_76 = arith.constant 2 : i32
    %dma_start3A_77 = arith.constant 2 : i32
    %dma_start3A_78 = arith.constant 0 : i32
    %dma_start3A_79 = tpu.memref_slice %arg9[%dma_start3A_76, %dma_start3A_78] : memref<4x80xi32, #tpu.memory_space<vmem>> -> memref<1x80xi32, #tpu.memory_space<vmem>>
    %dma_start3A_80 = tpu.memref_squeeze %dma_start3A_79 : memref<1x80xi32, #tpu.memory_space<vmem>> -> memref<80xi32, #tpu.memory_space<vmem>>
    %dma_start3A_81 = tpu.memref_slice %arg2[%add3A_75] : memref<640000xi32, #tpu.memory_space<hbm>> -> memref<80xi32, #tpu.memory_space<hbm>>
    %dma_start3A_82 = tpu.memref_slice %arg14[%dma_start3A_77] : memref<4x!tpu.dma_semaphore, #tpu.memory_space<semaphore_mem>> -> memref<1x!tpu.dma_semaphore, #tpu.memory_space<semaphore_mem>>
    %dma_start3A_83 = tpu.memref_squeeze %dma_start3A_82 : memref<1x!tpu.dma_semaphore, #tpu.memory_space<semaphore_mem>> -> memref<!tpu.dma_semaphore, #tpu.memory_space<semaphore_mem>>
    %dma_start3A_84 = arith.constant 0 : i32
    %dma_start3A_85 = tpu.memref_slice %arg9[%dma_start3A_76, %dma_start3A_84] : memref<4x80xi32, #tpu.memory_space<vmem>> -> memref<1x80xi32, #tpu.memory_space<vmem>>
    %dma_start3A_86 = tpu.memref_squeeze %dma_start3A_85 : memref<1x80xi32, #tpu.memory_space<vmem>> -> memref<80xi32, #tpu.memory_space<vmem>>
    %dma_start3A_87 = tpu.memref_slice %arg2[%add3A_75] : memref<640000xi32, #tpu.memory_space<hbm>> -> memref<80xi32, #tpu.memory_space<hbm>>
    tpu.enqueue_dma source(%dma_start3A_87 : memref<80xi32, #tpu.memory_space<hbm>>) target(%dma_start3A_86 : memref<80xi32, #tpu.memory_space<vmem>>) target_semaphore(%dma_start3A_83 : memref<!tpu.dma_semaphore, #tpu.memory_space<semaphore_mem>>)
    %add3A_88 = arith.constant 160 : i32
    %add3A_89 = arith.addi %mul3A_2, %add3A_88 : i32
    %dma_start3A_90 = arith.constant 2 : i32
    %dma_start3A_91 = arith.constant 2 : i32
    %dma_start3A_92 = arith.constant 0 : i32
    %dma_start3A_93 = arith.constant 0 : i32
    %dma_start3A_94 = tpu.memref_slice %arg8[%dma_start3A_90, %dma_start3A_92, %dma_start3A_93] : memref<4x80x128xf32, #tpu.memory_space<vmem>> -> memref<1x80x128xf32, #tpu.memory_space<vmem>>
    %dma_start3A_95 = tpu.memref_squeeze %dma_start3A_94 : memref<1x80x128xf32, #tpu.memory_space<vmem>> -> memref<80x128xf32, #tpu.memory_space<vmem>>
    %dma_start3A_96 = arith.constant 0 : i32
    %dma_start3A_97 = tpu.memref_slice %arg3[%add3A_89, %dma_start3A_96] : memref<320000x128xf32, #tpu.memory_space<hbm>> -> memref<80x128xf32, #tpu.memory_space<hbm>>
    %dma_start3A_98 = tpu.memref_slice %arg13[%dma_start3A_91] : memref<4x!tpu.dma_semaphore, #tpu.memory_space<semaphore_mem>> -> memref<1x!tpu.dma_semaphore, #tpu.memory_space<semaphore_mem>>
    %dma_start3A_99 = tpu.memref_squeeze %dma_start3A_98 : memref<1x!tpu.dma_semaphore, #tpu.memory_space<semaphore_mem>> -> memref<!tpu.dma_semaphore, #tpu.memory_space<semaphore_mem>>
    %dma_start3A_100 = arith.constant 0 : i32
    %dma_start3A_101 = arith.constant 0 : i32
    %dma_start3A_102 = tpu.memref_slice %arg8[%dma_start3A_90, %dma_start3A_100, %dma_start3A_101] : memref<4x80x128xf32, #tpu.memory_space<vmem>> -> memref<1x80x128xf32, #tpu.memory_space<vmem>>
    %dma_start3A_103 = tpu.memref_squeeze %dma_start3A_102 : memref<1x80x128xf32, #tpu.memory_space<vmem>> -> memref<80x128xf32, #tpu.memory_space<vmem>>
    %dma_start3A_104 = arith.constant 0 : i32
    %dma_start3A_105 = tpu.memref_slice %arg3[%add3A_89, %dma_start3A_104] : memref<320000x128xf32, #tpu.memory_space<hbm>> -> memref<80x128xf32, #tpu.memory_space<hbm>>
    tpu.enqueue_dma source(%dma_start3A_105 : memref<80x128xf32, #tpu.memory_space<hbm>>) target(%dma_start3A_103 : memref<80x128xf32, #tpu.memory_space<vmem>>) target_semaphore(%dma_start3A_99 : memref<!tpu.dma_semaphore, #tpu.memory_space<semaphore_mem>>)
    %mul3A_106 = arith.constant 632 : i32
    %mul3A_107 = arith.muli %arg1, %mul3A_106 : i32
    %mul3A_108 = arith.constant 632 : i32
    %mul3A_109 = arith.muli %arg1, %mul3A_108 : i32
    "tpu.region"() ({
      %run_scoped3A = tpu.sem_alloc : memref<!tpu.dma_semaphore, #tpu.memory_space<semaphore_mem>>
      %dma_start3A_481 = arith.constant 0 : i32
      %dma_start3A_482 = tpu.memref_slice %arg11[%mul3A_109, %dma_start3A_481] : memref<10112x128xf32, #tpu.memory_space<vmem_shared>> -> memref<632x128xf32, #tpu.memory_space<vmem_shared>>
      %dma_start3A_483 = arith.constant 0 : i32
      %dma_start3A_484 = tpu.memref_slice %arg4[%mul3A_107, %dma_start3A_483] : memref<10112x128xf32, #tpu.memory_space<hbm>> -> memref<632x128xf32, #tpu.memory_space<hbm>>
      tpu.enqueue_dma source(%dma_start3A_484 : memref<632x128xf32, #tpu.memory_space<hbm>>) target(%dma_start3A_482 : memref<632x128xf32, #tpu.memory_space<vmem_shared>>) target_semaphore(%run_scoped3A : memref<!tpu.dma_semaphore, #tpu.memory_space<semaphore_mem>>)
      %dma_wait3A_485 = arith.constant 0 : i32
      %dma_wait3A_486 = tpu.memref_slice %arg11[%mul3A_109, %dma_wait3A_485] : memref<10112x128xf32, #tpu.memory_space<vmem_shared>> -> memref<632x128xf32, #tpu.memory_space<vmem_shared>>
      %dma_wait3A_487 = arith.constant 0 : i32
      %dma_wait3A_488 = tpu.memref_slice %arg4[%mul3A_107, %dma_wait3A_487] : memref<10112x128xf32, #tpu.memory_space<hbm>> -> memref<632x128xf32, #tpu.memory_space<hbm>>
      tpu.wait_dma2 semaphore(%run_scoped3A : memref<!tpu.dma_semaphore, #tpu.memory_space<semaphore_mem>>) src(%dma_wait3A_488 : memref<632x128xf32, #tpu.memory_space<hbm>>) dst(%dma_wait3A_486 : memref<632x128xf32, #tpu.memory_space<vmem_shared>>)
      tpu.yield
    }) : () -> ()
    %mul3A_110 = arith.constant 640 : i32
    %mul3A_111 = arith.muli %arg1, %mul3A_110 : i32
    %mul3A_112 = arith.constant 640 : i32
    %mul3A_113 = arith.muli %arg1, %mul3A_112 : i32
    "tpu.region"() ({
      %run_scoped3A = tpu.sem_alloc : memref<!tpu.dma_semaphore, #tpu.memory_space<semaphore_mem>>
      %dma_start3A_481 = tpu.memref_slice %arg12[%mul3A_113] : memref<10240xf32, #tpu.memory_space<vmem_shared>> -> memref<640xf32, #tpu.memory_space<vmem_shared>>
      %dma_start3A_482 = tpu.memref_slice %arg5[%mul3A_111] : memref<10240xf32, #tpu.memory_space<hbm>> -> memref<640xf32, #tpu.memory_space<hbm>>
      tpu.enqueue_dma source(%dma_start3A_482 : memref<640xf32, #tpu.memory_space<hbm>>) target(%dma_start3A_481 : memref<640xf32, #tpu.memory_space<vmem_shared>>) target_semaphore(%run_scoped3A : memref<!tpu.dma_semaphore, #tpu.memory_space<semaphore_mem>>)
      %dma_wait3A_483 = tpu.memref_slice %arg12[%mul3A_113] : memref<10240xf32, #tpu.memory_space<vmem_shared>> -> memref<640xf32, #tpu.memory_space<vmem_shared>>
      %dma_wait3A_484 = tpu.memref_slice %arg5[%mul3A_111] : memref<10240xf32, #tpu.memory_space<hbm>> -> memref<640xf32, #tpu.memory_space<hbm>>
      tpu.wait_dma2 semaphore(%run_scoped3A : memref<!tpu.dma_semaphore, #tpu.memory_space<semaphore_mem>>) src(%dma_wait3A_484 : memref<640xf32, #tpu.memory_space<hbm>>) dst(%dma_wait3A_483 : memref<640xf32, #tpu.memory_space<vmem_shared>>)
      tpu.yield
    }) : () -> ()
    %barrier3A = arith.constant 0 : index
    tpu.barrier barrier_id(%barrier3A)
    %add3A_114 = arith.constant 0 : i32
    %add3A_115 = arith.addi %add3A_4, %add3A_114 : i32
    %dma_wait3A = arith.constant 0 : i32
    %dma_wait3A_116 = arith.constant 0 : i32
    %dma_wait3A_117 = arith.constant 0 : i32
    %dma_wait3A_118 = tpu.memref_slice %arg9[%dma_wait3A, %dma_wait3A_117] : memref<4x80xi32, #tpu.memory_space<vmem>> -> memref<1x80xi32, #tpu.memory_space<vmem>>
    %dma_wait3A_119 = tpu.memref_squeeze %dma_wait3A_118 : memref<1x80xi32, #tpu.memory_space<vmem>> -> memref<80xi32, #tpu.memory_space<vmem>>
    %dma_wait3A_120 = tpu.memref_slice %arg2[%add3A_115] : memref<640000xi32, #tpu.memory_space<hbm>> -> memref<80xi32, #tpu.memory_space<hbm>>
    %dma_wait3A_121 = tpu.memref_slice %arg14[%dma_wait3A_116] : memref<4x!tpu.dma_semaphore, #tpu.memory_space<semaphore_mem>> -> memref<1x!tpu.dma_semaphore, #tpu.memory_space<semaphore_mem>>
    %dma_wait3A_122 = tpu.memref_squeeze %dma_wait3A_121 : memref<1x!tpu.dma_semaphore, #tpu.memory_space<semaphore_mem>> -> memref<!tpu.dma_semaphore, #tpu.memory_space<semaphore_mem>>
    %dma_wait3A_123 = arith.constant 0 : i32
    %dma_wait3A_124 = tpu.memref_slice %arg9[%dma_wait3A, %dma_wait3A_123] : memref<4x80xi32, #tpu.memory_space<vmem>> -> memref<1x80xi32, #tpu.memory_space<vmem>>
    %dma_wait3A_125 = tpu.memref_squeeze %dma_wait3A_124 : memref<1x80xi32, #tpu.memory_space<vmem>> -> memref<80xi32, #tpu.memory_space<vmem>>
    %dma_wait3A_126 = tpu.memref_slice %arg2[%add3A_115] : memref<640000xi32, #tpu.memory_space<hbm>> -> memref<80xi32, #tpu.memory_space<hbm>>
    tpu.wait_dma2 semaphore(%dma_wait3A_122 : memref<!tpu.dma_semaphore, #tpu.memory_space<semaphore_mem>>) src(%dma_wait3A_126 : memref<80xi32, #tpu.memory_space<hbm>>) dst(%dma_wait3A_125 : memref<80xi32, #tpu.memory_space<vmem>>)
    %add3A_127 = arith.constant 0 : i32
    %add3A_128 = arith.addi %mul3A_2, %add3A_127 : i32
    %dma_wait3A_129 = arith.constant 0 : i32
    %dma_wait3A_130 = arith.constant 0 : i32
    %dma_wait3A_131 = arith.constant 0 : i32
    %dma_wait3A_132 = arith.constant 0 : i32
    %dma_wait3A_133 = tpu.memref_slice %arg8[%dma_wait3A_129, %dma_wait3A_131, %dma_wait3A_132] : memref<4x80x128xf32, #tpu.memory_space<vmem>> -> memref<1x80x128xf32, #tpu.memory_space<vmem>>
    %dma_wait3A_134 = tpu.memref_squeeze %dma_wait3A_133 : memref<1x80x128xf32, #tpu.memory_space<vmem>> -> memref<80x128xf32, #tpu.memory_space<vmem>>
    %dma_wait3A_135 = arith.constant 0 : i32
    %dma_wait3A_136 = tpu.memref_slice %arg3[%add3A_128, %dma_wait3A_135] : memref<320000x128xf32, #tpu.memory_space<hbm>> -> memref<80x128xf32, #tpu.memory_space<hbm>>
    %dma_wait3A_137 = tpu.memref_slice %arg13[%dma_wait3A_130] : memref<4x!tpu.dma_semaphore, #tpu.memory_space<semaphore_mem>> -> memref<1x!tpu.dma_semaphore, #tpu.memory_space<semaphore_mem>>
    %dma_wait3A_138 = tpu.memref_squeeze %dma_wait3A_137 : memref<1x!tpu.dma_semaphore, #tpu.memory_space<semaphore_mem>> -> memref<!tpu.dma_semaphore, #tpu.memory_space<semaphore_mem>>
    %dma_wait3A_139 = arith.constant 0 : i32
    %dma_wait3A_140 = arith.constant 0 : i32
    %dma_wait3A_141 = tpu.memref_slice %arg8[%dma_wait3A_129, %dma_wait3A_139, %dma_wait3A_140] : memref<4x80x128xf32, #tpu.memory_space<vmem>> -> memref<1x80x128xf32, #tpu.memory_space<vmem>>
    %dma_wait3A_142 = tpu.memref_squeeze %dma_wait3A_141 : memref<1x80x128xf32, #tpu.memory_space<vmem>> -> memref<80x128xf32, #tpu.memory_space<vmem>>
    %dma_wait3A_143 = arith.constant 0 : i32
    %dma_wait3A_144 = tpu.memref_slice %arg3[%add3A_128, %dma_wait3A_143] : memref<320000x128xf32, #tpu.memory_space<hbm>> -> memref<80x128xf32, #tpu.memory_space<hbm>>
    tpu.wait_dma2 semaphore(%dma_wait3A_138 : memref<!tpu.dma_semaphore, #tpu.memory_space<semaphore_mem>>) src(%dma_wait3A_144 : memref<80x128xf32, #tpu.memory_space<hbm>>) dst(%dma_wait3A_142 : memref<80x128xf32, #tpu.memory_space<vmem>>)
    %dma_start3A_145 = arith.constant 0 : i32
    %dma_start3A_146 = arith.constant 0 : i32
    %dma_start3A_147 = arith.constant 0 : i32
    %dma_start3A_148 = arith.constant 0 : i32
    %dma_start3A_149 = arith.constant 0 : i32
    %dma_start3A_150 = tpu.memref_slice %arg8[%dma_start3A_145, %dma_start3A_148, %dma_start3A_149] : memref<4x80x128xf32, #tpu.memory_space<vmem>> -> memref<1x80x128xf32, #tpu.memory_space<vmem>>
    %dma_start3A_151 = tpu.memref_squeeze %dma_start3A_150 : memref<1x80x128xf32, #tpu.memory_space<vmem>> -> memref<80x128xf32, #tpu.memory_space<vmem>>
    %dma_start3A_152 = arith.constant 0 : i32
    %dma_start3A_153 = tpu.memref_slice %arg9[%dma_start3A_146, %dma_start3A_152] : memref<4x80xi32, #tpu.memory_space<vmem>> -> memref<1x80xi32, #tpu.memory_space<vmem>>
    %dma_start3A_154 = tpu.memref_squeeze %dma_start3A_153 : memref<1x80xi32, #tpu.memory_space<vmem>> -> memref<80xi32, #tpu.memory_space<vmem>>
    %dma_start3A_155 = arith.constant 0 : i32
    %dma_start3A_156 = arith.constant 0 : i32
    %dma_start3A_157 = tpu.memref_slice %arg11[%dma_start3A_155, %dma_start3A_156] : memref<10112x128xf32, #tpu.memory_space<vmem_shared>> -> memref<10112x128xf32, #tpu.memory_space<vmem_shared>>
    %dma_start3A_158 = tpu.memref_slice %arg15[%dma_start3A_147] : memref<4x!tpu.dma_semaphore, #tpu.memory_space<semaphore_mem>> -> memref<1x!tpu.dma_semaphore, #tpu.memory_space<semaphore_mem>>
    %dma_start3A_159 = tpu.memref_squeeze %dma_start3A_158 : memref<1x!tpu.dma_semaphore, #tpu.memory_space<semaphore_mem>> -> memref<!tpu.dma_semaphore, #tpu.memory_space<semaphore_mem>>
    tpu.enqueue_indirect_dma source(%dma_start3A_151 : memref<80x128xf32, #tpu.memory_space<vmem>>) target(%dma_start3A_157 : memref<10112x128xf32, #tpu.memory_space<vmem_shared>>) offsets(%dma_start3A_154 : memref<80xi32, #tpu.memory_space<vmem>>) semaphore(%dma_start3A_159 : memref<!tpu.dma_semaphore, #tpu.memory_space<semaphore_mem>>) {add = true}
    %dma_start3A_160 = arith.constant 0 : i32
    %dma_start3A_161 = arith.constant 0 : i32
    %dma_start3A_162 = arith.constant 0 : i32
    %dma_start3A_163 = tpu.memref_slice %arg9[%dma_start3A_160, %dma_start3A_162] : memref<4x80xi32, #tpu.memory_space<vmem>> -> memref<1x80xi32, #tpu.memory_space<vmem>>
    %dma_start3A_164 = tpu.memref_squeeze %dma_start3A_163 : memref<1x80xi32, #tpu.memory_space<vmem>> -> memref<80xi32, #tpu.memory_space<vmem>>
    %dma_start3A_165 = arith.constant 0 : i32
    %dma_start3A_166 = tpu.memref_slice %arg12[%dma_start3A_165] : memref<10240xf32, #tpu.memory_space<vmem_shared>> -> memref<10240xf32, #tpu.memory_space<vmem_shared>>
    %dma_start3A_167 = tpu.memref_slice %arg16[%dma_start3A_161] : memref<4x!tpu.dma_semaphore, #tpu.memory_space<semaphore_mem>> -> memref<1x!tpu.dma_semaphore, #tpu.memory_space<semaphore_mem>>
    %dma_start3A_168 = tpu.memref_squeeze %dma_start3A_167 : memref<1x!tpu.dma_semaphore, #tpu.memory_space<semaphore_mem>> -> memref<!tpu.dma_semaphore, #tpu.memory_space<semaphore_mem>>
    tpu.enqueue_indirect_dma source(%arg10 : memref<80xf32, #tpu.memory_space<vmem>>) target(%dma_start3A_166 : memref<10240xf32, #tpu.memory_space<vmem_shared>>) offsets(%dma_start3A_164 : memref<80xi32, #tpu.memory_space<vmem>>) semaphore(%dma_start3A_168 : memref<!tpu.dma_semaphore, #tpu.memory_space<semaphore_mem>>) {add = true}
    %add3A_169 = arith.constant 240 : i32
    %add3A_170 = arith.addi %add3A_4, %add3A_169 : i32
    %dma_start3A_171 = arith.constant 3 : i32
    %dma_start3A_172 = arith.constant 3 : i32
    %dma_start3A_173 = arith.constant 0 : i32
    %dma_start3A_174 = tpu.memref_slice %arg9[%dma_start3A_171, %dma_start3A_173] : memref<4x80xi32, #tpu.memory_space<vmem>> -> memref<1x80xi32, #tpu.memory_space<vmem>>
    %dma_start3A_175 = tpu.memref_squeeze %dma_start3A_174 : memref<1x80xi32, #tpu.memory_space<vmem>> -> memref<80xi32, #tpu.memory_space<vmem>>
    %dma_start3A_176 = tpu.memref_slice %arg2[%add3A_170] : memref<640000xi32, #tpu.memory_space<hbm>> -> memref<80xi32, #tpu.memory_space<hbm>>
    %dma_start3A_177 = tpu.memref_slice %arg14[%dma_start3A_172] : memref<4x!tpu.dma_semaphore, #tpu.memory_space<semaphore_mem>> -> memref<1x!tpu.dma_semaphore, #tpu.memory_space<semaphore_mem>>
    %dma_start3A_178 = tpu.memref_squeeze %dma_start3A_177 : memref<1x!tpu.dma_semaphore, #tpu.memory_space<semaphore_mem>> -> memref<!tpu.dma_semaphore, #tpu.memory_space<semaphore_mem>>
    %dma_start3A_179 = arith.constant 0 : i32
    %dma_start3A_180 = tpu.memref_slice %arg9[%dma_start3A_171, %dma_start3A_179] : memref<4x80xi32, #tpu.memory_space<vmem>> -> memref<1x80xi32, #tpu.memory_space<vmem>>
    %dma_start3A_181 = tpu.memref_squeeze %dma_start3A_180 : memref<1x80xi32, #tpu.memory_space<vmem>> -> memref<80xi32, #tpu.memory_space<vmem>>
    %dma_start3A_182 = tpu.memref_slice %arg2[%add3A_170] : memref<640000xi32, #tpu.memory_space<hbm>> -> memref<80xi32, #tpu.memory_space<hbm>>
    tpu.enqueue_dma source(%dma_start3A_182 : memref<80xi32, #tpu.memory_space<hbm>>) target(%dma_start3A_181 : memref<80xi32, #tpu.memory_space<vmem>>) target_semaphore(%dma_start3A_178 : memref<!tpu.dma_semaphore, #tpu.memory_space<semaphore_mem>>)
    %add3A_183 = arith.constant 240 : i32
    %add3A_184 = arith.addi %mul3A_2, %add3A_183 : i32
    %dma_start3A_185 = arith.constant 3 : i32
    %dma_start3A_186 = arith.constant 3 : i32
    %dma_start3A_187 = arith.constant 0 : i32
    %dma_start3A_188 = arith.constant 0 : i32
    %dma_start3A_189 = tpu.memref_slice %arg8[%dma_start3A_185, %dma_start3A_187, %dma_start3A_188] : memref<4x80x128xf32, #tpu.memory_space<vmem>> -> memref<1x80x128xf32, #tpu.memory_space<vmem>>
    %dma_start3A_190 = tpu.memref_squeeze %dma_start3A_189 : memref<1x80x128xf32, #tpu.memory_space<vmem>> -> memref<80x128xf32, #tpu.memory_space<vmem>>
    %dma_start3A_191 = arith.constant 0 : i32
    %dma_start3A_192 = tpu.memref_slice %arg3[%add3A_184, %dma_start3A_191] : memref<320000x128xf32, #tpu.memory_space<hbm>> -> memref<80x128xf32, #tpu.memory_space<hbm>>
    %dma_start3A_193 = tpu.memref_slice %arg13[%dma_start3A_186] : memref<4x!tpu.dma_semaphore, #tpu.memory_space<semaphore_mem>> -> memref<1x!tpu.dma_semaphore, #tpu.memory_space<semaphore_mem>>
    %dma_start3A_194 = tpu.memref_squeeze %dma_start3A_193 : memref<1x!tpu.dma_semaphore, #tpu.memory_space<semaphore_mem>> -> memref<!tpu.dma_semaphore, #tpu.memory_space<semaphore_mem>>
    %dma_start3A_195 = arith.constant 0 : i32
    %dma_start3A_196 = arith.constant 0 : i32
    %dma_start3A_197 = tpu.memref_slice %arg8[%dma_start3A_185, %dma_start3A_195, %dma_start3A_196] : memref<4x80x128xf32, #tpu.memory_space<vmem>> -> memref<1x80x128xf32, #tpu.memory_space<vmem>>
    %dma_start3A_198 = tpu.memref_squeeze %dma_start3A_197 : memref<1x80x128xf32, #tpu.memory_space<vmem>> -> memref<80x128xf32, #tpu.memory_space<vmem>>
    %dma_start3A_199 = arith.constant 0 : i32
    %dma_start3A_200 = tpu.memref_slice %arg3[%add3A_184, %dma_start3A_199] : memref<320000x128xf32, #tpu.memory_space<hbm>> -> memref<80x128xf32, #tpu.memory_space<hbm>>
    tpu.enqueue_dma source(%dma_start3A_200 : memref<80x128xf32, #tpu.memory_space<hbm>>) target(%dma_start3A_198 : memref<80x128xf32, #tpu.memory_space<vmem>>) target_semaphore(%dma_start3A_194 : memref<!tpu.dma_semaphore, #tpu.memory_space<semaphore_mem>>)
    %scan3A_201 = arith.constant 0 : i32
    %scan3A_202 = arith.constant 1 : i32
    %scan3A_203 = arith.constant 121 : i32
    %scan3A_204 = arith.addi %scan3A_202, %scan3A_203 : i32
    %scan3A_205 = arith.constant 1 : i32
    %scan3A_206 = scf.for %scan3A_481 = %scan3A_202 to %scan3A_204 step %scan3A_205 iter_args(%scan3A_482 = %scan3A_201) -> (i32)  : i32 {
      %rem3A = arith.constant 4 : i32
      %rem3A_483 = arith.remsi %scan3A_481, %rem3A : i32
      %mul3A_484 = arith.constant 80 : i32
      %mul3A_485 = arith.muli %scan3A_481, %mul3A_484 : i32
      %add3A_486 = arith.addi %add3A_4, %mul3A_485 : i32
      %dma_wait3A_487 = arith.constant 0 : i32
      %dma_wait3A_488 = tpu.memref_slice %arg9[%rem3A_483, %dma_wait3A_487] : memref<4x80xi32, #tpu.memory_space<vmem>> -> memref<1x80xi32, #tpu.memory_space<vmem>>
      %dma_wait3A_489 = tpu.memref_squeeze %dma_wait3A_488 : memref<1x80xi32, #tpu.memory_space<vmem>> -> memref<80xi32, #tpu.memory_space<vmem>>
      %dma_wait3A_490 = tpu.memref_slice %arg2[%add3A_486] : memref<640000xi32, #tpu.memory_space<hbm>> -> memref<80xi32, #tpu.memory_space<hbm>>
      %dma_wait3A_491 = tpu.memref_slice %arg14[%rem3A_483] : memref<4x!tpu.dma_semaphore, #tpu.memory_space<semaphore_mem>> -> memref<1x!tpu.dma_semaphore, #tpu.memory_space<semaphore_mem>>
      %dma_wait3A_492 = tpu.memref_squeeze %dma_wait3A_491 : memref<1x!tpu.dma_semaphore, #tpu.memory_space<semaphore_mem>> -> memref<!tpu.dma_semaphore, #tpu.memory_space<semaphore_mem>>
      %dma_wait3A_493 = arith.constant 0 : i32
      %dma_wait3A_494 = tpu.memref_slice %arg9[%rem3A_483, %dma_wait3A_493] : memref<4x80xi32, #tpu.memory_space<vmem>> -> memref<1x80xi32, #tpu.memory_space<vmem>>
      %dma_wait3A_495 = tpu.memref_squeeze %dma_wait3A_494 : memref<1x80xi32, #tpu.memory_space<vmem>> -> memref<80xi32, #tpu.memory_space<vmem>>
      %dma_wait3A_496 = tpu.memref_slice %arg2[%add3A_486] : memref<640000xi32, #tpu.memory_space<hbm>> -> memref<80xi32, #tpu.memory_space<hbm>>
      tpu.wait_dma2 semaphore(%dma_wait3A_492 : memref<!tpu.dma_semaphore, #tpu.memory_space<semaphore_mem>>) src(%dma_wait3A_496 : memref<80xi32, #tpu.memory_space<hbm>>) dst(%dma_wait3A_495 : memref<80xi32, #tpu.memory_space<vmem>>)
      %mul3A_497 = arith.constant 80 : i32
      %mul3A_498 = arith.muli %scan3A_481, %mul3A_497 : i32
      %add3A_499 = arith.addi %mul3A_2, %mul3A_498 : i32
      %dma_wait3A_500 = arith.constant 0 : i32
      %dma_wait3A_501 = arith.constant 0 : i32
      %dma_wait3A_502 = tpu.memref_slice %arg8[%rem3A_483, %dma_wait3A_500, %dma_wait3A_501] : memref<4x80x128xf32, #tpu.memory_space<vmem>> -> memref<1x80x128xf32, #tpu.memory_space<vmem>>
      %dma_wait3A_503 = tpu.memref_squeeze %dma_wait3A_502 : memref<1x80x128xf32, #tpu.memory_space<vmem>> -> memref<80x128xf32, #tpu.memory_space<vmem>>
      %dma_wait3A_504 = arith.constant 0 : i32
      %dma_wait3A_505 = tpu.memref_slice %arg3[%add3A_499, %dma_wait3A_504] : memref<320000x128xf32, #tpu.memory_space<hbm>> -> memref<80x128xf32, #tpu.memory_space<hbm>>
      %dma_wait3A_506 = tpu.memref_slice %arg13[%rem3A_483] : memref<4x!tpu.dma_semaphore, #tpu.memory_space<semaphore_mem>> -> memref<1x!tpu.dma_semaphore, #tpu.memory_space<semaphore_mem>>
      %dma_wait3A_507 = tpu.memref_squeeze %dma_wait3A_506 : memref<1x!tpu.dma_semaphore, #tpu.memory_space<semaphore_mem>> -> memref<!tpu.dma_semaphore, #tpu.memory_space<semaphore_mem>>
      %dma_wait3A_508 = arith.constant 0 : i32
      %dma_wait3A_509 = arith.constant 0 : i32
      %dma_wait3A_510 = tpu.memref_slice %arg8[%rem3A_483, %dma_wait3A_508, %dma_wait3A_509] : memref<4x80x128xf32, #tpu.memory_space<vmem>> -> memref<1x80x128xf32, #tpu.memory_space<vmem>>
      %dma_wait3A_511 = tpu.memref_squeeze %dma_wait3A_510 : memref<1x80x128xf32, #tpu.memory_space<vmem>> -> memref<80x128xf32, #tpu.memory_space<vmem>>
      %dma_wait3A_512 = arith.constant 0 : i32
      %dma_wait3A_513 = tpu.memref_slice %arg3[%add3A_499, %dma_wait3A_512] : memref<320000x128xf32, #tpu.memory_space<hbm>> -> memref<80x128xf32, #tpu.memory_space<hbm>>
      tpu.wait_dma2 semaphore(%dma_wait3A_507 : memref<!tpu.dma_semaphore, #tpu.memory_space<semaphore_mem>>) src(%dma_wait3A_513 : memref<80x128xf32, #tpu.memory_space<hbm>>) dst(%dma_wait3A_511 : memref<80x128xf32, #tpu.memory_space<vmem>>)
      %dma_start3A_514 = arith.constant 0 : i32
      %dma_start3A_515 = arith.constant 0 : i32
      %dma_start3A_516 = tpu.memref_slice %arg8[%rem3A_483, %dma_start3A_514, %dma_start3A_515] : memref<4x80x128xf32, #tpu.memory_space<vmem>> -> memref<1x80x128xf32, #tpu.memory_space<vmem>>
      %dma_start3A_517 = tpu.memref_squeeze %dma_start3A_516 : memref<1x80x128xf32, #tpu.memory_space<vmem>> -> memref<80x128xf32, #tpu.memory_space<vmem>>
      %dma_start3A_518 = arith.constant 0 : i32
      %dma_start3A_519 = tpu.memref_slice %arg9[%rem3A_483, %dma_start3A_518] : memref<4x80xi32, #tpu.memory_space<vmem>> -> memref<1x80xi32, #tpu.memory_space<vmem>>
      %dma_start3A_520 = tpu.memref_squeeze %dma_start3A_519 : memref<1x80xi32, #tpu.memory_space<vmem>> -> memref<80xi32, #tpu.memory_space<vmem>>
      %dma_start3A_521 = arith.constant 0 : i32
      %dma_start3A_522 = arith.constant 0 : i32
      %dma_start3A_523 = tpu.memref_slice %arg11[%dma_start3A_521, %dma_start3A_522] : memref<10112x128xf32, #tpu.memory_space<vmem_shared>> -> memref<10112x128xf32, #tpu.memory_space<vmem_shared>>
      %dma_start3A_524 = tpu.memref_slice %arg15[%rem3A_483] : memref<4x!tpu.dma_semaphore, #tpu.memory_space<semaphore_mem>> -> memref<1x!tpu.dma_semaphore, #tpu.memory_space<semaphore_mem>>
      %dma_start3A_525 = tpu.memref_squeeze %dma_start3A_524 : memref<1x!tpu.dma_semaphore, #tpu.memory_space<semaphore_mem>> -> memref<!tpu.dma_semaphore, #tpu.memory_space<semaphore_mem>>
      tpu.enqueue_indirect_dma source(%dma_start3A_517 : memref<80x128xf32, #tpu.memory_space<vmem>>) target(%dma_start3A_523 : memref<10112x128xf32, #tpu.memory_space<vmem_shared>>) offsets(%dma_start3A_520 : memref<80xi32, #tpu.memory_space<vmem>>) semaphore(%dma_start3A_525 : memref<!tpu.dma_semaphore, #tpu.memory_space<semaphore_mem>>) {add = true}
      %dma_start3A_526 = arith.constant 0 : i32
      %dma_start3A_527 = tpu.memref_slice %arg9[%rem3A_483, %dma_start3A_526] : memref<4x80xi32, #tpu.memory_space<vmem>> -> memref<1x80xi32, #tpu.memory_space<vmem>>
      %dma_start3A_528 = tpu.memref_squeeze %dma_start3A_527 : memref<1x80xi32, #tpu.memory_space<vmem>> -> memref<80xi32, #tpu.memory_space<vmem>>
      %dma_start3A_529 = arith.constant 0 : i32
      %dma_start3A_530 = tpu.memref_slice %arg12[%dma_start3A_529] : memref<10240xf32, #tpu.memory_space<vmem_shared>> -> memref<10240xf32, #tpu.memory_space<vmem_shared>>
      %dma_start3A_531 = tpu.memref_slice %arg16[%rem3A_483] : memref<4x!tpu.dma_semaphore, #tpu.memory_space<semaphore_mem>> -> memref<1x!tpu.dma_semaphore, #tpu.memory_space<semaphore_mem>>
      %dma_start3A_532 = tpu.memref_squeeze %dma_start3A_531 : memref<1x!tpu.dma_semaphore, #tpu.memory_space<semaphore_mem>> -> memref<!tpu.dma_semaphore, #tpu.memory_space<semaphore_mem>>
      tpu.enqueue_indirect_dma source(%arg10 : memref<80xf32, #tpu.memory_space<vmem>>) target(%dma_start3A_530 : memref<10240xf32, #tpu.memory_space<vmem_shared>>) offsets(%dma_start3A_528 : memref<80xi32, #tpu.memory_space<vmem>>) semaphore(%dma_start3A_532 : memref<!tpu.dma_semaphore, #tpu.memory_space<semaphore_mem>>) {add = true}
      %add3A_533 = arith.constant 3 : i32
      %add3A_534 = arith.addi %scan3A_481, %add3A_533 : i32
      %rem3A_535 = arith.constant 4 : i32
      %rem3A_536 = arith.remsi %add3A_534, %rem3A_535 : i32
      %sub3A = arith.constant 4 : i32
      %sub3A_537 = arith.subi %add3A_534, %sub3A : i32
      %dma_wait3A_538 = arith.constant 0 : i32
      %dma_wait3A_539 = arith.constant 0 : i32
      %dma_wait3A_540 = tpu.memref_slice %arg8[%rem3A_536, %dma_wait3A_538, %dma_wait3A_539] : memref<4x80x128xf32, #tpu.memory_space<vmem>> -> memref<1x80x128xf32, #tpu.memory_space<vmem>>
      %dma_wait3A_541 = tpu.memref_squeeze %dma_wait3A_540 : memref<1x80x128xf32, #tpu.memory_space<vmem>> -> memref<80x128xf32, #tpu.memory_space<vmem>>
      %dma_wait3A_542 = arith.constant 0 : i32
      %dma_wait3A_543 = tpu.memref_slice %arg9[%rem3A_536, %dma_wait3A_542] : memref<4x80xi32, #tpu.memory_space<vmem>> -> memref<1x80xi32, #tpu.memory_space<vmem>>
      %dma_wait3A_544 = tpu.memref_squeeze %dma_wait3A_543 : memref<1x80xi32, #tpu.memory_space<vmem>> -> memref<80xi32, #tpu.memory_space<vmem>>
      %dma_wait3A_545 = arith.constant 0 : i32
      %dma_wait3A_546 = arith.constant 0 : i32
      %dma_wait3A_547 = tpu.memref_slice %arg11[%dma_wait3A_545, %dma_wait3A_546] : memref<10112x128xf32, #tpu.memory_space<vmem_shared>> -> memref<10112x128xf32, #tpu.memory_space<vmem_shared>>
      %dma_wait3A_548 = tpu.memref_slice %arg15[%rem3A_536] : memref<4x!tpu.dma_semaphore, #tpu.memory_space<semaphore_mem>> -> memref<1x!tpu.dma_semaphore, #tpu.memory_space<semaphore_mem>>
      %dma_wait3A_549 = tpu.memref_squeeze %dma_wait3A_548 : memref<1x!tpu.dma_semaphore, #tpu.memory_space<semaphore_mem>> -> memref<!tpu.dma_semaphore, #tpu.memory_space<semaphore_mem>>
      tpu.wait_indirect_dma semaphore(%dma_wait3A_549 : memref<!tpu.dma_semaphore, #tpu.memory_space<semaphore_mem>>) src(%dma_wait3A_541 : memref<80x128xf32, #tpu.memory_space<vmem>>) dst(%dma_wait3A_547 : memref<10112x128xf32, #tpu.memory_space<vmem_shared>>)
      %dma_wait3A_550 = arith.constant 0 : i32
      %dma_wait3A_551 = tpu.memref_slice %arg9[%rem3A_536, %dma_wait3A_550] : memref<4x80xi32, #tpu.memory_space<vmem>> -> memref<1x80xi32, #tpu.memory_space<vmem>>
      %dma_wait3A_552 = tpu.memref_squeeze %dma_wait3A_551 : memref<1x80xi32, #tpu.memory_space<vmem>> -> memref<80xi32, #tpu.memory_space<vmem>>
      %dma_wait3A_553 = arith.constant 0 : i32
      %dma_wait3A_554 = tpu.memref_slice %arg12[%dma_wait3A_553] : memref<10240xf32, #tpu.memory_space<vmem_shared>> -> memref<10240xf32, #tpu.memory_space<vmem_shared>>
      %dma_wait3A_555 = tpu.memref_slice %arg16[%rem3A_536] : memref<4x!tpu.dma_semaphore, #tpu.memory_space<semaphore_mem>> -> memref<1x!tpu.dma_semaphore, #tpu.memory_space<semaphore_mem>>
      %dma_wait3A_556 = tpu.memref_squeeze %dma_wait3A_555 : memref<1x!tpu.dma_semaphore, #tpu.memory_space<semaphore_mem>> -> memref<!tpu.dma_semaphore, #tpu.memory_space<semaphore_mem>>
      tpu.wait_indirect_dma semaphore(%dma_wait3A_556 : memref<!tpu.dma_semaphore, #tpu.memory_space<semaphore_mem>>) src(%arg10 : memref<80xf32, #tpu.memory_space<vmem>>) dst(%dma_wait3A_554 : memref<10240xf32, #tpu.memory_space<vmem_shared>>)
      %mul3A_557 = arith.constant 80 : i32
      %mul3A_558 = arith.muli %add3A_534, %mul3A_557 : i32
      %add3A_559 = arith.addi %add3A_4, %mul3A_558 : i32
      %dma_start3A_560 = arith.constant 0 : i32
      %dma_start3A_561 = tpu.memref_slice %arg9[%rem3A_536, %dma_start3A_560] : memref<4x80xi32, #tpu.memory_space<vmem>> -> memref<1x80xi32, #tpu.memory_space<vmem>>
      %dma_start3A_562 = tpu.memref_squeeze %dma_start3A_561 : memref<1x80xi32, #tpu.memory_space<vmem>> -> memref<80xi32, #tpu.memory_space<vmem>>
      %dma_start3A_563 = tpu.memref_slice %arg2[%add3A_559] : memref<640000xi32, #tpu.memory_space<hbm>> -> memref<80xi32, #tpu.memory_space<hbm>>
      %dma_start3A_564 = tpu.memref_slice %arg14[%rem3A_536] : memref<4x!tpu.dma_semaphore, #tpu.memory_space<semaphore_mem>> -> memref<1x!tpu.dma_semaphore, #tpu.memory_space<semaphore_mem>>
      %dma_start3A_565 = tpu.memref_squeeze %dma_start3A_564 : memref<1x!tpu.dma_semaphore, #tpu.memory_space<semaphore_mem>> -> memref<!tpu.dma_semaphore, #tpu.memory_space<semaphore_mem>>
      %dma_start3A_566 = arith.constant 0 : i32
      %dma_start3A_567 = tpu.memref_slice %arg9[%rem3A_536, %dma_start3A_566] : memref<4x80xi32, #tpu.memory_space<vmem>> -> memref<1x80xi32, #tpu.memory_space<vmem>>
      %dma_start3A_568 = tpu.memref_squeeze %dma_start3A_567 : memref<1x80xi32, #tpu.memory_space<vmem>> -> memref<80xi32, #tpu.memory_space<vmem>>
      %dma_start3A_569 = tpu.memref_slice %arg2[%add3A_559] : memref<640000xi32, #tpu.memory_space<hbm>> -> memref<80xi32, #tpu.memory_space<hbm>>
      tpu.enqueue_dma source(%dma_start3A_569 : memref<80xi32, #tpu.memory_space<hbm>>) target(%dma_start3A_568 : memref<80xi32, #tpu.memory_space<vmem>>) target_semaphore(%dma_start3A_565 : memref<!tpu.dma_semaphore, #tpu.memory_space<semaphore_mem>>)
      %mul3A_570 = arith.constant 80 : i32
      %mul3A_571 = arith.muli %add3A_534, %mul3A_570 : i32
      %add3A_572 = arith.addi %mul3A_2, %mul3A_571 : i32
      %dma_start3A_573 = arith.constant 0 : i32
      %dma_start3A_574 = arith.constant 0 : i32
      %dma_start3A_575 = tpu.memref_slice %arg8[%rem3A_536, %dma_start3A_573, %dma_start3A_574] : memref<4x80x128xf32, #tpu.memory_space<vmem>> -> memref<1x80x128xf32, #tpu.memory_space<vmem>>
      %dma_start3A_576 = tpu.memref_squeeze %dma_start3A_575 : memref<1x80x128xf32, #tpu.memory_space<vmem>> -> memref<80x128xf32, #tpu.memory_space<vmem>>
      %dma_start3A_577 = arith.constant 0 : i32
      %dma_start3A_578 = tpu.memref_slice %arg3[%add3A_572, %dma_start3A_577] : memref<320000x128xf32, #tpu.memory_space<hbm>> -> memref<80x128xf32, #tpu.memory_space<hbm>>
      %dma_start3A_579 = tpu.memref_slice %arg13[%rem3A_536] : memref<4x!tpu.dma_semaphore, #tpu.memory_space<semaphore_mem>> -> memref<1x!tpu.dma_semaphore, #tpu.memory_space<semaphore_mem>>
      %dma_start3A_580 = tpu.memref_squeeze %dma_start3A_579 : memref<1x!tpu.dma_semaphore, #tpu.memory_space<semaphore_mem>> -> memref<!tpu.dma_semaphore, #tpu.memory_space<semaphore_mem>>
      %dma_start3A_581 = arith.constant 0 : i32
      %dma_start3A_582 = arith.constant 0 : i32
      %dma_start3A_583 = tpu.memref_slice %arg8[%rem3A_536, %dma_start3A_581, %dma_start3A_582] : memref<4x80x128xf32, #tpu.memory_space<vmem>> -> memref<1x80x128xf32, #tpu.memory_space<vmem>>
      %dma_start3A_584 = tpu.memref_squeeze %dma_start3A_583 : memref<1x80x128xf32, #tpu.memory_space<vmem>> -> memref<80x128xf32, #tpu.memory_space<vmem>>
      %dma_start3A_585 = arith.constant 0 : i32
      %dma_start3A_586 = tpu.memref_slice %arg3[%add3A_572, %dma_start3A_585] : memref<320000x128xf32, #tpu.memory_space<hbm>> -> memref<80x128xf32, #tpu.memory_space<hbm>>
      tpu.enqueue_dma source(%dma_start3A_586 : memref<80x128xf32, #tpu.memory_space<hbm>>) target(%dma_start3A_584 : memref<80x128xf32, #tpu.memory_space<vmem>>) target_semaphore(%dma_start3A_580 : memref<!tpu.dma_semaphore, #tpu.memory_space<semaphore_mem>>)
      %scan3A_587 = arith.constant 0 : i32
      scf.yield %scan3A_587 : i32
    }
    %scan3A_207 = arith.constant 121 : i32
    %add3A_208 = arith.constant 9760 : i32
    %add3A_209 = arith.addi %add3A_4, %add3A_208 : i32
    %dma_wait3A_210 = arith.constant 2 : i32
    %dma_wait3A_211 = arith.constant 2 : i32
    %dma_wait3A_212 = arith.constant 0 : i32
    %dma_wait3A_213 = tpu.memref_slice %arg9[%dma_wait3A_210, %dma_wait3A_212] : memref<4x80xi32, #tpu.memory_space<vmem>> -> memref<1x80xi32, #tpu.memory_space<vmem>>
    %dma_wait3A_214 = tpu.memref_squeeze %dma_wait3A_213 : memref<1x80xi32, #tpu.memory_space<vmem>> -> memref<80xi32, #tpu.memory_space<vmem>>
    %dma_wait3A_215 = tpu.memref_slice %arg2[%add3A_209] : memref<640000xi32, #tpu.memory_space<hbm>> -> memref<80xi32, #tpu.memory_space<hbm>>
    %dma_wait3A_216 = tpu.memref_slice %arg14[%dma_wait3A_211] : memref<4x!tpu.dma_semaphore, #tpu.memory_space<semaphore_mem>> -> memref<1x!tpu.dma_semaphore, #tpu.memory_space<semaphore_mem>>
    %dma_wait3A_217 = tpu.memref_squeeze %dma_wait3A_216 : memref<1x!tpu.dma_semaphore, #tpu.memory_space<semaphore_mem>> -> memref<!tpu.dma_semaphore, #tpu.memory_space<semaphore_mem>>
    %dma_wait3A_218 = arith.constant 0 : i32
    %dma_wait3A_219 = tpu.memref_slice %arg9[%dma_wait3A_210, %dma_wait3A_218] : memref<4x80xi32, #tpu.memory_space<vmem>> -> memref<1x80xi32, #tpu.memory_space<vmem>>
    %dma_wait3A_220 = tpu.memref_squeeze %dma_wait3A_219 : memref<1x80xi32, #tpu.memory_space<vmem>> -> memref<80xi32, #tpu.memory_space<vmem>>
    %dma_wait3A_221 = tpu.memref_slice %arg2[%add3A_209] : memref<640000xi32, #tpu.memory_space<hbm>> -> memref<80xi32, #tpu.memory_space<hbm>>
    tpu.wait_dma2 semaphore(%dma_wait3A_217 : memref<!tpu.dma_semaphore, #tpu.memory_space<semaphore_mem>>) src(%dma_wait3A_221 : memref<80xi32, #tpu.memory_space<hbm>>) dst(%dma_wait3A_220 : memref<80xi32, #tpu.memory_space<vmem>>)
    %add3A_222 = arith.constant 9760 : i32
    %add3A_223 = arith.addi %mul3A_2, %add3A_222 : i32
    %dma_wait3A_224 = arith.constant 2 : i32
    %dma_wait3A_225 = arith.constant 2 : i32
    %dma_wait3A_226 = arith.constant 0 : i32
    %dma_wait3A_227 = arith.constant 0 : i32
    %dma_wait3A_228 = tpu.memref_slice %arg8[%dma_wait3A_224, %dma_wait3A_226, %dma_wait3A_227] : memref<4x80x128xf32, #tpu.memory_space<vmem>> -> memref<1x80x128xf32, #tpu.memory_space<vmem>>
    %dma_wait3A_229 = tpu.memref_squeeze %dma_wait3A_228 : memref<1x80x128xf32, #tpu.memory_space<vmem>> -> memref<80x128xf32, #tpu.memory_space<vmem>>
    %dma_wait3A_230 = arith.constant 0 : i32
    %dma_wait3A_231 = tpu.memref_slice %arg3[%add3A_223, %dma_wait3A_230] : memref<320000x128xf32, #tpu.memory_space<hbm>> -> memref<80x128xf32, #tpu.memory_space<hbm>>
    %dma_wait3A_232 = tpu.memref_slice %arg13[%dma_wait3A_225] : memref<4x!tpu.dma_semaphore, #tpu.memory_space<semaphore_mem>> -> memref<1x!tpu.dma_semaphore, #tpu.memory_space<semaphore_mem>>
    %dma_wait3A_233 = tpu.memref_squeeze %dma_wait3A_232 : memref<1x!tpu.dma_semaphore, #tpu.memory_space<semaphore_mem>> -> memref<!tpu.dma_semaphore, #tpu.memory_space<semaphore_mem>>
    %dma_wait3A_234 = arith.constant 0 : i32
    %dma_wait3A_235 = arith.constant 0 : i32
    %dma_wait3A_236 = tpu.memref_slice %arg8[%dma_wait3A_224, %dma_wait3A_234, %dma_wait3A_235] : memref<4x80x128xf32, #tpu.memory_space<vmem>> -> memref<1x80x128xf32, #tpu.memory_space<vmem>>
    %dma_wait3A_237 = tpu.memref_squeeze %dma_wait3A_236 : memref<1x80x128xf32, #tpu.memory_space<vmem>> -> memref<80x128xf32, #tpu.memory_space<vmem>>
    %dma_wait3A_238 = arith.constant 0 : i32
    %dma_wait3A_239 = tpu.memref_slice %arg3[%add3A_223, %dma_wait3A_238] : memref<320000x128xf32, #tpu.memory_space<hbm>> -> memref<80x128xf32, #tpu.memory_space<hbm>>
    tpu.wait_dma2 semaphore(%dma_wait3A_233 : memref<!tpu.dma_semaphore, #tpu.memory_space<semaphore_mem>>) src(%dma_wait3A_239 : memref<80x128xf32, #tpu.memory_space<hbm>>) dst(%dma_wait3A_237 : memref<80x128xf32, #tpu.memory_space<vmem>>)
    %dma_start3A_240 = arith.constant 2 : i32
    %dma_start3A_241 = arith.constant 2 : i32
    %dma_start3A_242 = arith.constant 2 : i32
    %dma_start3A_243 = arith.constant 0 : i32
    %dma_start3A_244 = arith.constant 0 : i32
    %dma_start3A_245 = tpu.memref_slice %arg8[%dma_start3A_240, %dma_start3A_243, %dma_start3A_244] : memref<4x80x128xf32, #tpu.memory_space<vmem>> -> memref<1x80x128xf32, #tpu.memory_space<vmem>>
    %dma_start3A_246 = tpu.memref_squeeze %dma_start3A_245 : memref<1x80x128xf32, #tpu.memory_space<vmem>> -> memref<80x128xf32, #tpu.memory_space<vmem>>
    %dma_start3A_247 = arith.constant 0 : i32
    %dma_start3A_248 = tpu.memref_slice %arg9[%dma_start3A_241, %dma_start3A_247] : memref<4x80xi32, #tpu.memory_space<vmem>> -> memref<1x80xi32, #tpu.memory_space<vmem>>
    %dma_start3A_249 = tpu.memref_squeeze %dma_start3A_248 : memref<1x80xi32, #tpu.memory_space<vmem>> -> memref<80xi32, #tpu.memory_space<vmem>>
    %dma_start3A_250 = arith.constant 0 : i32
    %dma_start3A_251 = arith.constant 0 : i32
    %dma_start3A_252 = tpu.memref_slice %arg11[%dma_start3A_250, %dma_start3A_251] : memref<10112x128xf32, #tpu.memory_space<vmem_shared>> -> memref<10112x128xf32, #tpu.memory_space<vmem_shared>>
    %dma_start3A_253 = tpu.memref_slice %arg15[%dma_start3A_242] : memref<4x!tpu.dma_semaphore, #tpu.memory_space<semaphore_mem>> -> memref<1x!tpu.dma_semaphore, #tpu.memory_space<semaphore_mem>>
    %dma_start3A_254 = tpu.memref_squeeze %dma_start3A_253 : memref<1x!tpu.dma_semaphore, #tpu.memory_space<semaphore_mem>> -> memref<!tpu.dma_semaphore, #tpu.memory_space<semaphore_mem>>
    tpu.enqueue_indirect_dma source(%dma_start3A_246 : memref<80x128xf32, #tpu.memory_space<vmem>>) target(%dma_start3A_252 : memref<10112x128xf32, #tpu.memory_space<vmem_shared>>) offsets(%dma_start3A_249 : memref<80xi32, #tpu.memory_space<vmem>>) semaphore(%dma_start3A_254 : memref<!tpu.dma_semaphore, #tpu.memory_space<semaphore_mem>>) {add = true}
    %dma_start3A_255 = arith.constant 2 : i32
    %dma_start3A_256 = arith.constant 2 : i32
    %dma_start3A_257 = arith.constant 0 : i32
    %dma_start3A_258 = tpu.memref_slice %arg9[%dma_start3A_255, %dma_start3A_257] : memref<4x80xi32, #tpu.memory_space<vmem>> -> memref<1x80xi32, #tpu.memory_space<vmem>>
    %dma_start3A_259 = tpu.memref_squeeze %dma_start3A_258 : memref<1x80xi32, #tpu.memory_space<vmem>> -> memref<80xi32, #tpu.memory_space<vmem>>
    %dma_start3A_260 = arith.constant 0 : i32
    %dma_start3A_261 = tpu.memref_slice %arg12[%dma_start3A_260] : memref<10240xf32, #tpu.memory_space<vmem_shared>> -> memref<10240xf32, #tpu.memory_space<vmem_shared>>
    %dma_start3A_262 = tpu.memref_slice %arg16[%dma_start3A_256] : memref<4x!tpu.dma_semaphore, #tpu.memory_space<semaphore_mem>> -> memref<1x!tpu.dma_semaphore, #tpu.memory_space<semaphore_mem>>
    %dma_start3A_263 = tpu.memref_squeeze %dma_start3A_262 : memref<1x!tpu.dma_semaphore, #tpu.memory_space<semaphore_mem>> -> memref<!tpu.dma_semaphore, #tpu.memory_space<semaphore_mem>>
    tpu.enqueue_indirect_dma source(%arg10 : memref<80xf32, #tpu.memory_space<vmem>>) target(%dma_start3A_261 : memref<10240xf32, #tpu.memory_space<vmem_shared>>) offsets(%dma_start3A_259 : memref<80xi32, #tpu.memory_space<vmem>>) semaphore(%dma_start3A_263 : memref<!tpu.dma_semaphore, #tpu.memory_space<semaphore_mem>>) {add = true}
    %add3A_264 = arith.constant 9840 : i32
    %add3A_265 = arith.addi %add3A_4, %add3A_264 : i32
    %dma_wait3A_266 = arith.constant 3 : i32
    %dma_wait3A_267 = arith.constant 3 : i32
    %dma_wait3A_268 = arith.constant 0 : i32
    %dma_wait3A_269 = tpu.memref_slice %arg9[%dma_wait3A_266, %dma_wait3A_268] : memref<4x80xi32, #tpu.memory_space<vmem>> -> memref<1x80xi32, #tpu.memory_space<vmem>>
    %dma_wait3A_270 = tpu.memref_squeeze %dma_wait3A_269 : memref<1x80xi32, #tpu.memory_space<vmem>> -> memref<80xi32, #tpu.memory_space<vmem>>
    %dma_wait3A_271 = tpu.memref_slice %arg2[%add3A_265] : memref<640000xi32, #tpu.memory_space<hbm>> -> memref<80xi32, #tpu.memory_space<hbm>>
    %dma_wait3A_272 = tpu.memref_slice %arg14[%dma_wait3A_267] : memref<4x!tpu.dma_semaphore, #tpu.memory_space<semaphore_mem>> -> memref<1x!tpu.dma_semaphore, #tpu.memory_space<semaphore_mem>>
    %dma_wait3A_273 = tpu.memref_squeeze %dma_wait3A_272 : memref<1x!tpu.dma_semaphore, #tpu.memory_space<semaphore_mem>> -> memref<!tpu.dma_semaphore, #tpu.memory_space<semaphore_mem>>
    %dma_wait3A_274 = arith.constant 0 : i32
    %dma_wait3A_275 = tpu.memref_slice %arg9[%dma_wait3A_266, %dma_wait3A_274] : memref<4x80xi32, #tpu.memory_space<vmem>> -> memref<1x80xi32, #tpu.memory_space<vmem>>
    %dma_wait3A_276 = tpu.memref_squeeze %dma_wait3A_275 : memref<1x80xi32, #tpu.memory_space<vmem>> -> memref<80xi32, #tpu.memory_space<vmem>>
    %dma_wait3A_277 = tpu.memref_slice %arg2[%add3A_265] : memref<640000xi32, #tpu.memory_space<hbm>> -> memref<80xi32, #tpu.memory_space<hbm>>
    tpu.wait_dma2 semaphore(%dma_wait3A_273 : memref<!tpu.dma_semaphore, #tpu.memory_space<semaphore_mem>>) src(%dma_wait3A_277 : memref<80xi32, #tpu.memory_space<hbm>>) dst(%dma_wait3A_276 : memref<80xi32, #tpu.memory_space<vmem>>)
    %add3A_278 = arith.constant 9840 : i32
    %add3A_279 = arith.addi %mul3A_2, %add3A_278 : i32
    %dma_wait3A_280 = arith.constant 3 : i32
    %dma_wait3A_281 = arith.constant 3 : i32
    %dma_wait3A_282 = arith.constant 0 : i32
    %dma_wait3A_283 = arith.constant 0 : i32
    %dma_wait3A_284 = tpu.memref_slice %arg8[%dma_wait3A_280, %dma_wait3A_282, %dma_wait3A_283] : memref<4x80x128xf32, #tpu.memory_space<vmem>> -> memref<1x80x128xf32, #tpu.memory_space<vmem>>
    %dma_wait3A_285 = tpu.memref_squeeze %dma_wait3A_284 : memref<1x80x128xf32, #tpu.memory_space<vmem>> -> memref<80x128xf32, #tpu.memory_space<vmem>>
    %dma_wait3A_286 = arith.constant 0 : i32
    %dma_wait3A_287 = tpu.memref_slice %arg3[%add3A_279, %dma_wait3A_286] : memref<320000x128xf32, #tpu.memory_space<hbm>> -> memref<80x128xf32, #tpu.memory_space<hbm>>
    %dma_wait3A_288 = tpu.memref_slice %arg13[%dma_wait3A_281] : memref<4x!tpu.dma_semaphore, #tpu.memory_space<semaphore_mem>> -> memref<1x!tpu.dma_semaphore, #tpu.memory_space<semaphore_mem>>
    %dma_wait3A_289 = tpu.memref_squeeze %dma_wait3A_288 : memref<1x!tpu.dma_semaphore, #tpu.memory_space<semaphore_mem>> -> memref<!tpu.dma_semaphore, #tpu.memory_space<semaphore_mem>>
    %dma_wait3A_290 = arith.constant 0 : i32
    %dma_wait3A_291 = arith.constant 0 : i32
    %dma_wait3A_292 = tpu.memref_slice %arg8[%dma_wait3A_280, %dma_wait3A_290, %dma_wait3A_291] : memref<4x80x128xf32, #tpu.memory_space<vmem>> -> memref<1x80x128xf32, #tpu.memory_space<vmem>>
    %dma_wait3A_293 = tpu.memref_squeeze %dma_wait3A_292 : memref<1x80x128xf32, #tpu.memory_space<vmem>> -> memref<80x128xf32, #tpu.memory_space<vmem>>
    %dma_wait3A_294 = arith.constant 0 : i32
    %dma_wait3A_295 = tpu.memref_slice %arg3[%add3A_279, %dma_wait3A_294] : memref<320000x128xf32, #tpu.memory_space<hbm>> -> memref<80x128xf32, #tpu.memory_space<hbm>>
    tpu.wait_dma2 semaphore(%dma_wait3A_289 : memref<!tpu.dma_semaphore, #tpu.memory_space<semaphore_mem>>) src(%dma_wait3A_295 : memref<80x128xf32, #tpu.memory_space<hbm>>) dst(%dma_wait3A_293 : memref<80x128xf32, #tpu.memory_space<vmem>>)
    %dma_start3A_296 = arith.constant 3 : i32
    %dma_start3A_297 = arith.constant 3 : i32
    %dma_start3A_298 = arith.constant 3 : i32
    %dma_start3A_299 = arith.constant 0 : i32
    %dma_start3A_300 = arith.constant 0 : i32
    %dma_start3A_301 = tpu.memref_slice %arg8[%dma_start3A_296, %dma_start3A_299, %dma_start3A_300] : memref<4x80x128xf32, #tpu.memory_space<vmem>> -> memref<1x80x128xf32, #tpu.memory_space<vmem>>
    %dma_start3A_302 = tpu.memref_squeeze %dma_start3A_301 : memref<1x80x128xf32, #tpu.memory_space<vmem>> -> memref<80x128xf32, #tpu.memory_space<vmem>>
    %dma_start3A_303 = arith.constant 0 : i32
    %dma_start3A_304 = tpu.memref_slice %arg9[%dma_start3A_297, %dma_start3A_303] : memref<4x80xi32, #tpu.memory_space<vmem>> -> memref<1x80xi32, #tpu.memory_space<vmem>>
    %dma_start3A_305 = tpu.memref_squeeze %dma_start3A_304 : memref<1x80xi32, #tpu.memory_space<vmem>> -> memref<80xi32, #tpu.memory_space<vmem>>
    %dma_start3A_306 = arith.constant 0 : i32
    %dma_start3A_307 = arith.constant 0 : i32
    %dma_start3A_308 = tpu.memref_slice %arg11[%dma_start3A_306, %dma_start3A_307] : memref<10112x128xf32, #tpu.memory_space<vmem_shared>> -> memref<10112x128xf32, #tpu.memory_space<vmem_shared>>
    %dma_start3A_309 = tpu.memref_slice %arg15[%dma_start3A_298] : memref<4x!tpu.dma_semaphore, #tpu.memory_space<semaphore_mem>> -> memref<1x!tpu.dma_semaphore, #tpu.memory_space<semaphore_mem>>
    %dma_start3A_310 = tpu.memref_squeeze %dma_start3A_309 : memref<1x!tpu.dma_semaphore, #tpu.memory_space<semaphore_mem>> -> memref<!tpu.dma_semaphore, #tpu.memory_space<semaphore_mem>>
    tpu.enqueue_indirect_dma source(%dma_start3A_302 : memref<80x128xf32, #tpu.memory_space<vmem>>) target(%dma_start3A_308 : memref<10112x128xf32, #tpu.memory_space<vmem_shared>>) offsets(%dma_start3A_305 : memref<80xi32, #tpu.memory_space<vmem>>) semaphore(%dma_start3A_310 : memref<!tpu.dma_semaphore, #tpu.memory_space<semaphore_mem>>) {add = true}
    %dma_start3A_311 = arith.constant 3 : i32
    %dma_start3A_312 = arith.constant 3 : i32
    %dma_start3A_313 = arith.constant 0 : i32
    %dma_start3A_314 = tpu.memref_slice %arg9[%dma_start3A_311, %dma_start3A_313] : memref<4x80xi32, #tpu.memory_space<vmem>> -> memref<1x80xi32, #tpu.memory_space<vmem>>
    %dma_start3A_315 = tpu.memref_squeeze %dma_start3A_314 : memref<1x80xi32, #tpu.memory_space<vmem>> -> memref<80xi32, #tpu.memory_space<vmem>>
    %dma_start3A_316 = arith.constant 0 : i32
    %dma_start3A_317 = tpu.memref_slice %arg12[%dma_start3A_316] : memref<10240xf32, #tpu.memory_space<vmem_shared>> -> memref<10240xf32, #tpu.memory_space<vmem_shared>>
    %dma_start3A_318 = tpu.memref_slice %arg16[%dma_start3A_312] : memref<4x!tpu.dma_semaphore, #tpu.memory_space<semaphore_mem>> -> memref<1x!tpu.dma_semaphore, #tpu.memory_space<semaphore_mem>>
    %dma_start3A_319 = tpu.memref_squeeze %dma_start3A_318 : memref<1x!tpu.dma_semaphore, #tpu.memory_space<semaphore_mem>> -> memref<!tpu.dma_semaphore, #tpu.memory_space<semaphore_mem>>
    tpu.enqueue_indirect_dma source(%arg10 : memref<80xf32, #tpu.memory_space<vmem>>) target(%dma_start3A_317 : memref<10240xf32, #tpu.memory_space<vmem_shared>>) offsets(%dma_start3A_315 : memref<80xi32, #tpu.memory_space<vmem>>) semaphore(%dma_start3A_319 : memref<!tpu.dma_semaphore, #tpu.memory_space<semaphore_mem>>) {add = true}
    %add3A_320 = arith.constant 9920 : i32
    %add3A_321 = arith.addi %add3A_4, %add3A_320 : i32
    %dma_wait3A_322 = arith.constant 0 : i32
    %dma_wait3A_323 = arith.constant 0 : i32
    %dma_wait3A_324 = arith.constant 0 : i32
    %dma_wait3A_325 = tpu.memref_slice %arg9[%dma_wait3A_322, %dma_wait3A_324] : memref<4x80xi32, #tpu.memory_space<vmem>> -> memref<1x80xi32, #tpu.memory_space<vmem>>
    %dma_wait3A_326 = tpu.memref_squeeze %dma_wait3A_325 : memref<1x80xi32, #tpu.memory_space<vmem>> -> memref<80xi32, #tpu.memory_space<vmem>>
    %dma_wait3A_327 = tpu.memref_slice %arg2[%add3A_321] : memref<640000xi32, #tpu.memory_space<hbm>> -> memref<80xi32, #tpu.memory_space<hbm>>
    %dma_wait3A_328 = tpu.memref_slice %arg14[%dma_wait3A_323] : memref<4x!tpu.dma_semaphore, #tpu.memory_space<semaphore_mem>> -> memref<1x!tpu.dma_semaphore, #tpu.memory_space<semaphore_mem>>
    %dma_wait3A_329 = tpu.memref_squeeze %dma_wait3A_328 : memref<1x!tpu.dma_semaphore, #tpu.memory_space<semaphore_mem>> -> memref<!tpu.dma_semaphore, #tpu.memory_space<semaphore_mem>>
    %dma_wait3A_330 = arith.constant 0 : i32
    %dma_wait3A_331 = tpu.memref_slice %arg9[%dma_wait3A_322, %dma_wait3A_330] : memref<4x80xi32, #tpu.memory_space<vmem>> -> memref<1x80xi32, #tpu.memory_space<vmem>>
    %dma_wait3A_332 = tpu.memref_squeeze %dma_wait3A_331 : memref<1x80xi32, #tpu.memory_space<vmem>> -> memref<80xi32, #tpu.memory_space<vmem>>
    %dma_wait3A_333 = tpu.memref_slice %arg2[%add3A_321] : memref<640000xi32, #tpu.memory_space<hbm>> -> memref<80xi32, #tpu.memory_space<hbm>>
    tpu.wait_dma2 semaphore(%dma_wait3A_329 : memref<!tpu.dma_semaphore, #tpu.memory_space<semaphore_mem>>) src(%dma_wait3A_333 : memref<80xi32, #tpu.memory_space<hbm>>) dst(%dma_wait3A_332 : memref<80xi32, #tpu.memory_space<vmem>>)
    %add3A_334 = arith.constant 9920 : i32
    %add3A_335 = arith.addi %mul3A_2, %add3A_334 : i32
    %dma_wait3A_336 = arith.constant 0 : i32
    %dma_wait3A_337 = arith.constant 0 : i32
    %dma_wait3A_338 = arith.constant 0 : i32
    %dma_wait3A_339 = arith.constant 0 : i32
    %dma_wait3A_340 = tpu.memref_slice %arg8[%dma_wait3A_336, %dma_wait3A_338, %dma_wait3A_339] : memref<4x80x128xf32, #tpu.memory_space<vmem>> -> memref<1x80x128xf32, #tpu.memory_space<vmem>>
    %dma_wait3A_341 = tpu.memref_squeeze %dma_wait3A_340 : memref<1x80x128xf32, #tpu.memory_space<vmem>> -> memref<80x128xf32, #tpu.memory_space<vmem>>
    %dma_wait3A_342 = arith.constant 0 : i32
    %dma_wait3A_343 = tpu.memref_slice %arg3[%add3A_335, %dma_wait3A_342] : memref<320000x128xf32, #tpu.memory_space<hbm>> -> memref<80x128xf32, #tpu.memory_space<hbm>>
    %dma_wait3A_344 = tpu.memref_slice %arg13[%dma_wait3A_337] : memref<4x!tpu.dma_semaphore, #tpu.memory_space<semaphore_mem>> -> memref<1x!tpu.dma_semaphore, #tpu.memory_space<semaphore_mem>>
    %dma_wait3A_345 = tpu.memref_squeeze %dma_wait3A_344 : memref<1x!tpu.dma_semaphore, #tpu.memory_space<semaphore_mem>> -> memref<!tpu.dma_semaphore, #tpu.memory_space<semaphore_mem>>
    %dma_wait3A_346 = arith.constant 0 : i32
    %dma_wait3A_347 = arith.constant 0 : i32
    %dma_wait3A_348 = tpu.memref_slice %arg8[%dma_wait3A_336, %dma_wait3A_346, %dma_wait3A_347] : memref<4x80x128xf32, #tpu.memory_space<vmem>> -> memref<1x80x128xf32, #tpu.memory_space<vmem>>
    %dma_wait3A_349 = tpu.memref_squeeze %dma_wait3A_348 : memref<1x80x128xf32, #tpu.memory_space<vmem>> -> memref<80x128xf32, #tpu.memory_space<vmem>>
    %dma_wait3A_350 = arith.constant 0 : i32
    %dma_wait3A_351 = tpu.memref_slice %arg3[%add3A_335, %dma_wait3A_350] : memref<320000x128xf32, #tpu.memory_space<hbm>> -> memref<80x128xf32, #tpu.memory_space<hbm>>
    tpu.wait_dma2 semaphore(%dma_wait3A_345 : memref<!tpu.dma_semaphore, #tpu.memory_space<semaphore_mem>>) src(%dma_wait3A_351 : memref<80x128xf32, #tpu.memory_space<hbm>>) dst(%dma_wait3A_349 : memref<80x128xf32, #tpu.memory_space<vmem>>)
    %dma_start3A_352 = arith.constant 0 : i32
    %dma_start3A_353 = arith.constant 0 : i32
    %dma_start3A_354 = arith.constant 0 : i32
    %dma_start3A_355 = arith.constant 0 : i32
    %dma_start3A_356 = arith.constant 0 : i32
    %dma_start3A_357 = tpu.memref_slice %arg8[%dma_start3A_352, %dma_start3A_355, %dma_start3A_356] : memref<4x80x128xf32, #tpu.memory_space<vmem>> -> memref<1x80x128xf32, #tpu.memory_space<vmem>>
    %dma_start3A_358 = tpu.memref_squeeze %dma_start3A_357 : memref<1x80x128xf32, #tpu.memory_space<vmem>> -> memref<80x128xf32, #tpu.memory_space<vmem>>
    %dma_start3A_359 = arith.constant 0 : i32
    %dma_start3A_360 = tpu.memref_slice %arg9[%dma_start3A_353, %dma_start3A_359] : memref<4x80xi32, #tpu.memory_space<vmem>> -> memref<1x80xi32, #tpu.memory_space<vmem>>
    %dma_start3A_361 = tpu.memref_squeeze %dma_start3A_360 : memref<1x80xi32, #tpu.memory_space<vmem>> -> memref<80xi32, #tpu.memory_space<vmem>>
    %dma_start3A_362 = arith.constant 0 : i32
    %dma_start3A_363 = arith.constant 0 : i32
    %dma_start3A_364 = tpu.memref_slice %arg11[%dma_start3A_362, %dma_start3A_363] : memref<10112x128xf32, #tpu.memory_space<vmem_shared>> -> memref<10112x128xf32, #tpu.memory_space<vmem_shared>>
    %dma_start3A_365 = tpu.memref_slice %arg15[%dma_start3A_354] : memref<4x!tpu.dma_semaphore, #tpu.memory_space<semaphore_mem>> -> memref<1x!tpu.dma_semaphore, #tpu.memory_space<semaphore_mem>>
    %dma_start3A_366 = tpu.memref_squeeze %dma_start3A_365 : memref<1x!tpu.dma_semaphore, #tpu.memory_space<semaphore_mem>> -> memref<!tpu.dma_semaphore, #tpu.memory_space<semaphore_mem>>
    tpu.enqueue_indirect_dma source(%dma_start3A_358 : memref<80x128xf32, #tpu.memory_space<vmem>>) target(%dma_start3A_364 : memref<10112x128xf32, #tpu.memory_space<vmem_shared>>) offsets(%dma_start3A_361 : memref<80xi32, #tpu.memory_space<vmem>>) semaphore(%dma_start3A_366 : memref<!tpu.dma_semaphore, #tpu.memory_space<semaphore_mem>>) {add = true}
    %dma_start3A_367 = arith.constant 0 : i32
    %dma_start3A_368 = arith.constant 0 : i32
    %dma_start3A_369 = arith.constant 0 : i32
    %dma_start3A_370 = tpu.memref_slice %arg9[%dma_start3A_367, %dma_start3A_369] : memref<4x80xi32, #tpu.memory_space<vmem>> -> memref<1x80xi32, #tpu.memory_space<vmem>>
    %dma_start3A_371 = tpu.memref_squeeze %dma_start3A_370 : memref<1x80xi32, #tpu.memory_space<vmem>> -> memref<80xi32, #tpu.memory_space<vmem>>
    %dma_start3A_372 = arith.constant 0 : i32
    %dma_start3A_373 = tpu.memref_slice %arg12[%dma_start3A_372] : memref<10240xf32, #tpu.memory_space<vmem_shared>> -> memref<10240xf32, #tpu.memory_space<vmem_shared>>
    %dma_start3A_374 = tpu.memref_slice %arg16[%dma_start3A_368] : memref<4x!tpu.dma_semaphore, #tpu.memory_space<semaphore_mem>> -> memref<1x!tpu.dma_semaphore, #tpu.memory_space<semaphore_mem>>
    %dma_start3A_375 = tpu.memref_squeeze %dma_start3A_374 : memref<1x!tpu.dma_semaphore, #tpu.memory_space<semaphore_mem>> -> memref<!tpu.dma_semaphore, #tpu.memory_space<semaphore_mem>>
    tpu.enqueue_indirect_dma source(%arg10 : memref<80xf32, #tpu.memory_space<vmem>>) target(%dma_start3A_373 : memref<10240xf32, #tpu.memory_space<vmem_shared>>) offsets(%dma_start3A_371 : memref<80xi32, #tpu.memory_space<vmem>>) semaphore(%dma_start3A_375 : memref<!tpu.dma_semaphore, #tpu.memory_space<semaphore_mem>>) {add = true}
    %dma_wait3A_376 = arith.constant 1 : i32
    %dma_wait3A_377 = arith.constant 1 : i32
    %dma_wait3A_378 = arith.constant 1 : i32
    %dma_wait3A_379 = arith.constant 0 : i32
    %dma_wait3A_380 = arith.constant 0 : i32
    %dma_wait3A_381 = tpu.memref_slice %arg8[%dma_wait3A_376, %dma_wait3A_379, %dma_wait3A_380] : memref<4x80x128xf32, #tpu.memory_space<vmem>> -> memref<1x80x128xf32, #tpu.memory_space<vmem>>
    %dma_wait3A_382 = tpu.memref_squeeze %dma_wait3A_381 : memref<1x80x128xf32, #tpu.memory_space<vmem>> -> memref<80x128xf32, #tpu.memory_space<vmem>>
    %dma_wait3A_383 = arith.constant 0 : i32
    %dma_wait3A_384 = tpu.memref_slice %arg9[%dma_wait3A_377, %dma_wait3A_383] : memref<4x80xi32, #tpu.memory_space<vmem>> -> memref<1x80xi32, #tpu.memory_space<vmem>>
    %dma_wait3A_385 = tpu.memref_squeeze %dma_wait3A_384 : memref<1x80xi32, #tpu.memory_space<vmem>> -> memref<80xi32, #tpu.memory_space<vmem>>
    %dma_wait3A_386 = arith.constant 0 : i32
    %dma_wait3A_387 = arith.constant 0 : i32
    %dma_wait3A_388 = tpu.memref_slice %arg11[%dma_wait3A_386, %dma_wait3A_387] : memref<10112x128xf32, #tpu.memory_space<vmem_shared>> -> memref<10112x128xf32, #tpu.memory_space<vmem_shared>>
    %dma_wait3A_389 = tpu.memref_slice %arg15[%dma_wait3A_378] : memref<4x!tpu.dma_semaphore, #tpu.memory_space<semaphore_mem>> -> memref<1x!tpu.dma_semaphore, #tpu.memory_space<semaphore_mem>>
    %dma_wait3A_390 = tpu.memref_squeeze %dma_wait3A_389 : memref<1x!tpu.dma_semaphore, #tpu.memory_space<semaphore_mem>> -> memref<!tpu.dma_semaphore, #tpu.memory_space<semaphore_mem>>
    tpu.wait_indirect_dma semaphore(%dma_wait3A_390 : memref<!tpu.dma_semaphore, #tpu.memory_space<semaphore_mem>>) src(%dma_wait3A_382 : memref<80x128xf32, #tpu.memory_space<vmem>>) dst(%dma_wait3A_388 : memref<10112x128xf32, #tpu.memory_space<vmem_shared>>)
    %dma_wait3A_391 = arith.constant 1 : i32
    %dma_wait3A_392 = arith.constant 1 : i32
    %dma_wait3A_393 = arith.constant 0 : i32
    %dma_wait3A_394 = tpu.memref_slice %arg9[%dma_wait3A_391, %dma_wait3A_393] : memref<4x80xi32, #tpu.memory_space<vmem>> -> memref<1x80xi32, #tpu.memory_space<vmem>>
    %dma_wait3A_395 = tpu.memref_squeeze %dma_wait3A_394 : memref<1x80xi32, #tpu.memory_space<vmem>> -> memref<80xi32, #tpu.memory_space<vmem>>
    %dma_wait3A_396 = arith.constant 0 : i32
    %dma_wait3A_397 = tpu.memref_slice %arg12[%dma_wait3A_396] : memref<10240xf32, #tpu.memory_space<vmem_shared>> -> memref<10240xf32, #tpu.memory_space<vmem_shared>>
    %dma_wait3A_398 = tpu.memref_slice %arg16[%dma_wait3A_392] : memref<4x!tpu.dma_semaphore, #tpu.memory_space<semaphore_mem>> -> memref<1x!tpu.dma_semaphore, #tpu.memory_space<semaphore_mem>>
    %dma_wait3A_399 = tpu.memref_squeeze %dma_wait3A_398 : memref<1x!tpu.dma_semaphore, #tpu.memory_space<semaphore_mem>> -> memref<!tpu.dma_semaphore, #tpu.memory_space<semaphore_mem>>
    tpu.wait_indirect_dma semaphore(%dma_wait3A_399 : memref<!tpu.dma_semaphore, #tpu.memory_space<semaphore_mem>>) src(%arg10 : memref<80xf32, #tpu.memory_space<vmem>>) dst(%dma_wait3A_397 : memref<10240xf32, #tpu.memory_space<vmem_shared>>)
    %dma_wait3A_400 = arith.constant 2 : i32
    %dma_wait3A_401 = arith.constant 2 : i32
    %dma_wait3A_402 = arith.constant 2 : i32
    %dma_wait3A_403 = arith.constant 0 : i32
    %dma_wait3A_404 = arith.constant 0 : i32
    %dma_wait3A_405 = tpu.memref_slice %arg8[%dma_wait3A_400, %dma_wait3A_403, %dma_wait3A_404] : memref<4x80x128xf32, #tpu.memory_space<vmem>> -> memref<1x80x128xf32, #tpu.memory_space<vmem>>
    %dma_wait3A_406 = tpu.memref_squeeze %dma_wait3A_405 : memref<1x80x128xf32, #tpu.memory_space<vmem>> -> memref<80x128xf32, #tpu.memory_space<vmem>>
    %dma_wait3A_407 = arith.constant 0 : i32
    %dma_wait3A_408 = tpu.memref_slice %arg9[%dma_wait3A_401, %dma_wait3A_407] : memref<4x80xi32, #tpu.memory_space<vmem>> -> memref<1x80xi32, #tpu.memory_space<vmem>>
    %dma_wait3A_409 = tpu.memref_squeeze %dma_wait3A_408 : memref<1x80xi32, #tpu.memory_space<vmem>> -> memref<80xi32, #tpu.memory_space<vmem>>
    %dma_wait3A_410 = arith.constant 0 : i32
    %dma_wait3A_411 = arith.constant 0 : i32
    %dma_wait3A_412 = tpu.memref_slice %arg11[%dma_wait3A_410, %dma_wait3A_411] : memref<10112x128xf32, #tpu.memory_space<vmem_shared>> -> memref<10112x128xf32, #tpu.memory_space<vmem_shared>>
    %dma_wait3A_413 = tpu.memref_slice %arg15[%dma_wait3A_402] : memref<4x!tpu.dma_semaphore, #tpu.memory_space<semaphore_mem>> -> memref<1x!tpu.dma_semaphore, #tpu.memory_space<semaphore_mem>>
    %dma_wait3A_414 = tpu.memref_squeeze %dma_wait3A_413 : memref<1x!tpu.dma_semaphore, #tpu.memory_space<semaphore_mem>> -> memref<!tpu.dma_semaphore, #tpu.memory_space<semaphore_mem>>
    tpu.wait_indirect_dma semaphore(%dma_wait3A_414 : memref<!tpu.dma_semaphore, #tpu.memory_space<semaphore_mem>>) src(%dma_wait3A_406 : memref<80x128xf32, #tpu.memory_space<vmem>>) dst(%dma_wait3A_412 : memref<10112x128xf32, #tpu.memory_space<vmem_shared>>)
    %dma_wait3A_415 = arith.constant 2 : i32
    %dma_wait3A_416 = arith.constant 2 : i32
    %dma_wait3A_417 = arith.constant 0 : i32
    %dma_wait3A_418 = tpu.memref_slice %arg9[%dma_wait3A_415, %dma_wait3A_417] : memref<4x80xi32, #tpu.memory_space<vmem>> -> memref<1x80xi32, #tpu.memory_space<vmem>>
    %dma_wait3A_419 = tpu.memref_squeeze %dma_wait3A_418 : memref<1x80xi32, #tpu.memory_space<vmem>> -> memref<80xi32, #tpu.memory_space<vmem>>
    %dma_wait3A_420 = arith.constant 0 : i32
    %dma_wait3A_421 = tpu.memref_slice %arg12[%dma_wait3A_420] : memref<10240xf32, #tpu.memory_space<vmem_shared>> -> memref<10240xf32, #tpu.memory_space<vmem_shared>>
    %dma_wait3A_422 = tpu.memref_slice %arg16[%dma_wait3A_416] : memref<4x!tpu.dma_semaphore, #tpu.memory_space<semaphore_mem>> -> memref<1x!tpu.dma_semaphore, #tpu.memory_space<semaphore_mem>>
    %dma_wait3A_423 = tpu.memref_squeeze %dma_wait3A_422 : memref<1x!tpu.dma_semaphore, #tpu.memory_space<semaphore_mem>> -> memref<!tpu.dma_semaphore, #tpu.memory_space<semaphore_mem>>
    tpu.wait_indirect_dma semaphore(%dma_wait3A_423 : memref<!tpu.dma_semaphore, #tpu.memory_space<semaphore_mem>>) src(%arg10 : memref<80xf32, #tpu.memory_space<vmem>>) dst(%dma_wait3A_421 : memref<10240xf32, #tpu.memory_space<vmem_shared>>)
    %dma_wait3A_424 = arith.constant 3 : i32
    %dma_wait3A_425 = arith.constant 3 : i32
    %dma_wait3A_426 = arith.constant 3 : i32
    %dma_wait3A_427 = arith.constant 0 : i32
    %dma_wait3A_428 = arith.constant 0 : i32
    %dma_wait3A_429 = tpu.memref_slice %arg8[%dma_wait3A_424, %dma_wait3A_427, %dma_wait3A_428] : memref<4x80x128xf32, #tpu.memory_space<vmem>> -> memref<1x80x128xf32, #tpu.memory_space<vmem>>
    %dma_wait3A_430 = tpu.memref_squeeze %dma_wait3A_429 : memref<1x80x128xf32, #tpu.memory_space<vmem>> -> memref<80x128xf32, #tpu.memory_space<vmem>>
    %dma_wait3A_431 = arith.constant 0 : i32
    %dma_wait3A_432 = tpu.memref_slice %arg9[%dma_wait3A_425, %dma_wait3A_431] : memref<4x80xi32, #tpu.memory_space<vmem>> -> memref<1x80xi32, #tpu.memory_space<vmem>>
    %dma_wait3A_433 = tpu.memref_squeeze %dma_wait3A_432 : memref<1x80xi32, #tpu.memory_space<vmem>> -> memref<80xi32, #tpu.memory_space<vmem>>
    %dma_wait3A_434 = arith.constant 0 : i32
    %dma_wait3A_435 = arith.constant 0 : i32
    %dma_wait3A_436 = tpu.memref_slice %arg11[%dma_wait3A_434, %dma_wait3A_435] : memref<10112x128xf32, #tpu.memory_space<vmem_shared>> -> memref<10112x128xf32, #tpu.memory_space<vmem_shared>>
    %dma_wait3A_437 = tpu.memref_slice %arg15[%dma_wait3A_426] : memref<4x!tpu.dma_semaphore, #tpu.memory_space<semaphore_mem>> -> memref<1x!tpu.dma_semaphore, #tpu.memory_space<semaphore_mem>>
    %dma_wait3A_438 = tpu.memref_squeeze %dma_wait3A_437 : memref<1x!tpu.dma_semaphore, #tpu.memory_space<semaphore_mem>> -> memref<!tpu.dma_semaphore, #tpu.memory_space<semaphore_mem>>
    tpu.wait_indirect_dma semaphore(%dma_wait3A_438 : memref<!tpu.dma_semaphore, #tpu.memory_space<semaphore_mem>>) src(%dma_wait3A_430 : memref<80x128xf32, #tpu.memory_space<vmem>>) dst(%dma_wait3A_436 : memref<10112x128xf32, #tpu.memory_space<vmem_shared>>)
    %dma_wait3A_439 = arith.constant 3 : i32
    %dma_wait3A_440 = arith.constant 3 : i32
    %dma_wait3A_441 = arith.constant 0 : i32
    %dma_wait3A_442 = tpu.memref_slice %arg9[%dma_wait3A_439, %dma_wait3A_441] : memref<4x80xi32, #tpu.memory_space<vmem>> -> memref<1x80xi32, #tpu.memory_space<vmem>>
    %dma_wait3A_443 = tpu.memref_squeeze %dma_wait3A_442 : memref<1x80xi32, #tpu.memory_space<vmem>> -> memref<80xi32, #tpu.memory_space<vmem>>
    %dma_wait3A_444 = arith.constant 0 : i32
    %dma_wait3A_445 = tpu.memref_slice %arg12[%dma_wait3A_444] : memref<10240xf32, #tpu.memory_space<vmem_shared>> -> memref<10240xf32, #tpu.memory_space<vmem_shared>>
    %dma_wait3A_446 = tpu.memref_slice %arg16[%dma_wait3A_440] : memref<4x!tpu.dma_semaphore, #tpu.memory_space<semaphore_mem>> -> memref<1x!tpu.dma_semaphore, #tpu.memory_space<semaphore_mem>>
    %dma_wait3A_447 = tpu.memref_squeeze %dma_wait3A_446 : memref<1x!tpu.dma_semaphore, #tpu.memory_space<semaphore_mem>> -> memref<!tpu.dma_semaphore, #tpu.memory_space<semaphore_mem>>
    tpu.wait_indirect_dma semaphore(%dma_wait3A_447 : memref<!tpu.dma_semaphore, #tpu.memory_space<semaphore_mem>>) src(%arg10 : memref<80xf32, #tpu.memory_space<vmem>>) dst(%dma_wait3A_445 : memref<10240xf32, #tpu.memory_space<vmem_shared>>)
    %dma_wait3A_448 = arith.constant 0 : i32
    %dma_wait3A_449 = arith.constant 0 : i32
    %dma_wait3A_450 = arith.constant 0 : i32
    %dma_wait3A_451 = arith.constant 0 : i32
    %dma_wait3A_452 = arith.constant 0 : i32
    %dma_wait3A_453 = tpu.memref_slice %arg8[%dma_wait3A_448, %dma_wait3A_451, %dma_wait3A_452] : memref<4x80x128xf32, #tpu.memory_space<vmem>> -> memref<1x80x128xf32, #tpu.memory_space<vmem>>
    %dma_wait3A_454 = tpu.memref_squeeze %dma_wait3A_453 : memref<1x80x128xf32, #tpu.memory_space<vmem>> -> memref<80x128xf32, #tpu.memory_space<vmem>>
    %dma_wait3A_455 = arith.constant 0 : i32
    %dma_wait3A_456 = tpu.memref_slice %arg9[%dma_wait3A_449, %dma_wait3A_455] : memref<4x80xi32, #tpu.memory_space<vmem>> -> memref<1x80xi32, #tpu.memory_space<vmem>>
    %dma_wait3A_457 = tpu.memref_squeeze %dma_wait3A_456 : memref<1x80xi32, #tpu.memory_space<vmem>> -> memref<80xi32, #tpu.memory_space<vmem>>
    %dma_wait3A_458 = arith.constant 0 : i32
    %dma_wait3A_459 = arith.constant 0 : i32
    %dma_wait3A_460 = tpu.memref_slice %arg11[%dma_wait3A_458, %dma_wait3A_459] : memref<10112x128xf32, #tpu.memory_space<vmem_shared>> -> memref<10112x128xf32, #tpu.memory_space<vmem_shared>>
    %dma_wait3A_461 = tpu.memref_slice %arg15[%dma_wait3A_450] : memref<4x!tpu.dma_semaphore, #tpu.memory_space<semaphore_mem>> -> memref<1x!tpu.dma_semaphore, #tpu.memory_space<semaphore_mem>>
    %dma_wait3A_462 = tpu.memref_squeeze %dma_wait3A_461 : memref<1x!tpu.dma_semaphore, #tpu.memory_space<semaphore_mem>> -> memref<!tpu.dma_semaphore, #tpu.memory_space<semaphore_mem>>
    tpu.wait_indirect_dma semaphore(%dma_wait3A_462 : memref<!tpu.dma_semaphore, #tpu.memory_space<semaphore_mem>>) src(%dma_wait3A_454 : memref<80x128xf32, #tpu.memory_space<vmem>>) dst(%dma_wait3A_460 : memref<10112x128xf32, #tpu.memory_space<vmem_shared>>)
    %dma_wait3A_463 = arith.constant 0 : i32
    %dma_wait3A_464 = arith.constant 0 : i32
    %dma_wait3A_465 = arith.constant 0 : i32
    %dma_wait3A_466 = tpu.memref_slice %arg9[%dma_wait3A_463, %dma_wait3A_465] : memref<4x80xi32, #tpu.memory_space<vmem>> -> memref<1x80xi32, #tpu.memory_space<vmem>>
    %dma_wait3A_467 = tpu.memref_squeeze %dma_wait3A_466 : memref<1x80xi32, #tpu.memory_space<vmem>> -> memref<80xi32, #tpu.memory_space<vmem>>
    %dma_wait3A_468 = arith.constant 0 : i32
    %dma_wait3A_469 = tpu.memref_slice %arg12[%dma_wait3A_468] : memref<10240xf32, #tpu.memory_space<vmem_shared>> -> memref<10240xf32, #tpu.memory_space<vmem_shared>>
    %dma_wait3A_470 = tpu.memref_slice %arg16[%dma_wait3A_464] : memref<4x!tpu.dma_semaphore, #tpu.memory_space<semaphore_mem>> -> memref<1x!tpu.dma_semaphore, #tpu.memory_space<semaphore_mem>>
    %dma_wait3A_471 = tpu.memref_squeeze %dma_wait3A_470 : memref<1x!tpu.dma_semaphore, #tpu.memory_space<semaphore_mem>> -> memref<!tpu.dma_semaphore, #tpu.memory_space<semaphore_mem>>
    tpu.wait_indirect_dma semaphore(%dma_wait3A_471 : memref<!tpu.dma_semaphore, #tpu.memory_space<semaphore_mem>>) src(%arg10 : memref<80xf32, #tpu.memory_space<vmem>>) dst(%dma_wait3A_469 : memref<10240xf32, #tpu.memory_space<vmem_shared>>)
    %barrier3A_472 = arith.constant 0 : index
    tpu.barrier barrier_id(%barrier3A_472)
    %mul3A_473 = arith.constant 632 : i32
    %mul3A_474 = arith.muli %arg1, %mul3A_473 : i32
    %mul3A_475 = arith.constant 632 : i32
    %mul3A_476 = arith.muli %arg1, %mul3A_475 : i32
    "tpu.region"() ({
      %run_scoped3A = tpu.sem_alloc : memref<!tpu.dma_semaphore, #tpu.memory_space<semaphore_mem>>
      %dma_start3A_481 = arith.constant 0 : i32
      %dma_start3A_482 = tpu.memref_slice %arg6[%arg0, %mul3A_476, %dma_start3A_481] : memref<2x10112x128xf32, #tpu.memory_space<hbm>> -> memref<1x632x128xf32, #tpu.memory_space<hbm>>
      %dma_start3A_483 = tpu.memref_squeeze %dma_start3A_482 : memref<1x632x128xf32, #tpu.memory_space<hbm>> -> memref<632x128xf32, #tpu.memory_space<hbm>>
      %dma_start3A_484 = arith.constant 0 : i32
      %dma_start3A_485 = tpu.memref_slice %arg11[%mul3A_474, %dma_start3A_484] : memref<10112x128xf32, #tpu.memory_space<vmem_shared>> -> memref<632x128xf32, #tpu.memory_space<vmem_shared>>
      tpu.enqueue_dma source(%dma_start3A_485 : memref<632x128xf32, #tpu.memory_space<vmem_shared>>) target(%dma_start3A_483 : memref<632x128xf32, #tpu.memory_space<hbm>>) target_semaphore(%run_scoped3A : memref<!tpu.dma_semaphore, #tpu.memory_space<semaphore_mem>>)
      %dma_wait3A_486 = arith.constant 0 : i32
      %dma_wait3A_487 = tpu.memref_slice %arg6[%arg0, %mul3A_476, %dma_wait3A_486] : memref<2x10112x128xf32, #tpu.memory_space<hbm>> -> memref<1x632x128xf32, #tpu.memory_space<hbm>>
      %dma_wait3A_488 = tpu.memref_squeeze %dma_wait3A_487 : memref<1x632x128xf32, #tpu.memory_space<hbm>> -> memref<632x128xf32, #tpu.memory_space<hbm>>
      %dma_wait3A_489 = arith.constant 0 : i32
      %dma_wait3A_490 = tpu.memref_slice %arg11[%mul3A_474, %dma_wait3A_489] : memref<10112x128xf32, #tpu.memory_space<vmem_shared>> -> memref<632x128xf32, #tpu.memory_space<vmem_shared>>
      tpu.wait_dma2 semaphore(%run_scoped3A : memref<!tpu.dma_semaphore, #tpu.memory_space<semaphore_mem>>) src(%dma_wait3A_490 : memref<632x128xf32, #tpu.memory_space<vmem_shared>>) dst(%dma_wait3A_488 : memref<632x128xf32, #tpu.memory_space<hbm>>)
      tpu.yield
    }) : () -> ()
    %mul3A_477 = arith.constant 640 : i32
    %mul3A_478 = arith.muli %arg1, %mul3A_477 : i32
    %mul3A_479 = arith.constant 640 : i32
    %mul3A_480 = arith.muli %arg1, %mul3A_479 : i32
    "tpu.region"() ({
      %run_scoped3A = tpu.sem_alloc : memref<!tpu.dma_semaphore, #tpu.memory_space<semaphore_mem>>
      %dma_start3A_481 = tpu.memref_slice %arg7[%arg0, %mul3A_480] : memref<2x10240xf32, #tpu.memory_space<hbm>> -> memref<1x640xf32, #tpu.memory_space<hbm>>
      %dma_start3A_482 = tpu.memref_squeeze %dma_start3A_481 : memref<1x640xf32, #tpu.memory_space<hbm>> -> memref<640xf32, #tpu.memory_space<hbm>>
      %dma_start3A_483 = tpu.memref_slice %arg12[%mul3A_478] : memref<10240xf32, #tpu.memory_space<vmem_shared>> -> memref<640xf32, #tpu.memory_space<vmem_shared>>
      tpu.enqueue_dma source(%dma_start3A_483 : memref<640xf32, #tpu.memory_space<vmem_shared>>) target(%dma_start3A_482 : memref<640xf32, #tpu.memory_space<hbm>>) target_semaphore(%run_scoped3A : memref<!tpu.dma_semaphore, #tpu.memory_space<semaphore_mem>>)
      %dma_wait3A_484 = tpu.memref_slice %arg7[%arg0, %mul3A_480] : memref<2x10240xf32, #tpu.memory_space<hbm>> -> memref<1x640xf32, #tpu.memory_space<hbm>>
      %dma_wait3A_485 = tpu.memref_squeeze %dma_wait3A_484 : memref<1x640xf32, #tpu.memory_space<hbm>> -> memref<640xf32, #tpu.memory_space<hbm>>
      %dma_wait3A_486 = tpu.memref_slice %arg12[%mul3A_478] : memref<10240xf32, #tpu.memory_space<vmem_shared>> -> memref<640xf32, #tpu.memory_space<vmem_shared>>
      tpu.wait_dma2 semaphore(%run_scoped3A : memref<!tpu.dma_semaphore, #tpu.memory_space<semaphore_mem>>) src(%dma_wait3A_486 : memref<640xf32, #tpu.memory_space<vmem_shared>>) dst(%dma_wait3A_485 : memref<640xf32, #tpu.memory_space<hbm>>)
      tpu.yield
    }) : () -> ()
    return
  }
}

module attributes {stable_mosaic.version = 14 : i64} {
  func.func @body(%arg0: i32, %arg1: memref<1024x128xf32, #tpu.memory_space<vmem>>, %arg2: memref<2x1024x128xf32, #tpu.memory_space<vmem>>, %arg3: memref<2x1024xf32, #tpu.memory_space<vmem>>, %arg4: memref<256x256xf32, #tpu.memory_space<vmem>>, %arg5: memref<1x256xf32, #tpu.memory_space<vmem>>, %arg6: memref<1x256xf32, #tpu.memory_space<vmem>>, %arg7: memref<1x256xf32, #tpu.memory_space<vmem>>, %arg8: memref<1x1xf32, #tpu.memory_space<smem>>, %arg9: memref<256x128xf32, #tpu.memory_space<vmem>>, %arg10: memref<1x128xf32, #tpu.memory_space<vmem>>, %arg11: memref<1024x128xf32, #tpu.memory_space<vmem>>) attributes {dimension_semantics = [#tpu.dimension_semantics<arbitrary>], iteration_bounds = array<i64: 10>, scalar_prefetch = 0 : i64, scratch_operands = 0 : i64, tpu.core_type = #tpu.core_type<tc>, window_params = [{transform_indices = @transform_0, window_bounds = array<i64: 1024, 128>}, {transform_indices = @transform_1, window_bounds = array<i64: 2, 1024, 128>}, {transform_indices = @transform_2, window_bounds = array<i64: 2, 1024>}, {pipeline_mode = #tpu.pipeline_mode<synchronous>, transform_indices = @transform_3, window_bounds = array<i64: 256, 256>}, {pipeline_mode = #tpu.pipeline_mode<synchronous>, transform_indices = @transform_4, window_bounds = array<i64: 1, 256>}, {pipeline_mode = #tpu.pipeline_mode<synchronous>, transform_indices = @transform_5, window_bounds = array<i64: 1, 256>}, {pipeline_mode = #tpu.pipeline_mode<synchronous>, transform_indices = @transform_6, window_bounds = array<i64: 1, 256>}, {transform_indices = @transform_7, window_bounds = array<i64: 1, 1>}, {pipeline_mode = #tpu.pipeline_mode<synchronous>, transform_indices = @transform_8, window_bounds = array<i64: 256, 128>}, {pipeline_mode = #tpu.pipeline_mode<synchronous>, transform_indices = @transform_9, window_bounds = array<i64: 1, 128>}, {transform_indices = @transform_10, window_bounds = array<i64: 1024, 128>}]} {
    %get3A = arith.constant 0 : index
    %get3A_0 = arith.constant 0 : index
    %get3A_1 = arith.constant 0 : index
    %get3A_2 = vector.load %arg2[%get3A, %get3A_0, %get3A_1] : memref<2x1024x128xf32, #tpu.memory_space<vmem>>, vector<1x1024x128xf32>
    %get3A_3 = vector.shape_cast %get3A_2 : vector<1x1024x128xf32> to vector<1024x128xf32>
    %get3A_4 = arith.constant 1 : index
    %get3A_5 = arith.constant 0 : index
    %get3A_6 = arith.constant 0 : index
    %get3A_7 = vector.load %arg2[%get3A_4, %get3A_5, %get3A_6] : memref<2x1024x128xf32, #tpu.memory_space<vmem>>, vector<1x1024x128xf32>
    %get3A_8 = vector.shape_cast %get3A_7 : vector<1x1024x128xf32> to vector<1024x128xf32>
    %add3A = arith.addf %get3A_3, %get3A_8 : vector<1024x128xf32>
    %get3A_9 = arith.constant 0 : index
    %get3A_10 = arith.constant 0 : index
    %get3A_11 = vector.load %arg3[%get3A_9, %get3A_10] : memref<2x1024xf32, #tpu.memory_space<vmem>>, vector<1x1024xf32>
    %get3A_12 = vector.shape_cast %get3A_11 : vector<1x1024xf32> to vector<1024xf32>
    %get3A_13 = arith.constant 1 : index
    %get3A_14 = arith.constant 0 : index
    %get3A_15 = vector.load %arg3[%get3A_13, %get3A_14] : memref<2x1024xf32, #tpu.memory_space<vmem>>, vector<1x1024xf32>
    %get3A_16 = vector.shape_cast %get3A_15 : vector<1x1024xf32> to vector<1024xf32>
    %add3A_17 = arith.addf %get3A_12, %get3A_16 : vector<1024xf32>
    %jit3A = arith.constant 1.000000e+00 : f32
    %max3A = vector.broadcast %jit3A : f32 to vector<1024xf32>
    %max3A_18 = arith.maximumf %max3A, %add3A_17 : vector<1024xf32>
    %broadcast_in_dim3A = vector.shape_cast %max3A_18 : vector<1024xf32> to vector<1024x1xf32>
    %div3A = vector.broadcast %broadcast_in_dim3A : vector<1024x1xf32> to vector<1024x128xf32>
    %div3A_19 = arith.divf %add3A, %div3A : vector<1024x128xf32>
    %get3A_20 = arith.constant 0 : index
    %get3A_21 = arith.constant 0 : index
    %get3A_22 = vector.load %arg1[%get3A_20, %get3A_21] : memref<1024x128xf32, #tpu.memory_space<vmem>>, vector<1024x128xf32>
    %concatenate3A = tpu.concatenate %get3A_22, %div3A_19 in 1 : vector<1024x128xf32>, vector<1024x128xf32> -> vector<1024x256xf32>
    %get3A_23 = arith.constant 0 : index
    %get3A_24 = arith.constant 0 : index
    %get3A_25 = vector.load %arg4[%get3A_23, %get3A_24] : memref<256x256xf32, #tpu.memory_space<vmem>>, vector<256x256xf32>
    %dot_general3A = arith.constant dense<0.000000e+00> : vector<1024x256xf32>
    %dot_general3A_26 = tpu.matmul %concatenate3A, %get3A_25, %dot_general3A {dimension_numbers = #tpu.dot_dimension_numbers<[1], [0], [0], [1], [0, 0, 1, 1], [], []>, transpose_lhs_hint = false} : vector<1024x256xf32>, vector<256x256xf32>, vector<1024x256xf32> -> vector<1024x256xf32>
    %get3A_27 = arith.constant 0 : index
    %get3A_28 = arith.constant 0 : index
    %get3A_29 = vector.load %arg5[%get3A_27, %get3A_28] : memref<1x256xf32, #tpu.memory_space<vmem>>, vector<1x256xf32>
    %add3A_30 = vector.broadcast %get3A_29 : vector<1x256xf32> to vector<1024x256xf32>
    %add3A_31 = arith.addf %dot_general3A_26, %add3A_30 : vector<1024x256xf32>
    %reduce_sum3A = arith.constant dense<0.000000e+00> : vector<1024xf32>
    %reduce_sum3A_32 = vector.multi_reduction <add>, %add3A_31, %reduce_sum3A [1] : vector<1024x256xf32> to vector<1024xf32>
    %broadcast_in_dim3A_33 = vector.shape_cast %reduce_sum3A_32 : vector<1024xf32> to vector<1024x1xf32>
    %div3A_34 = arith.constant 2.560000e+02 : f32
    %div3A_35 = vector.broadcast %div3A_34 : f32 to vector<1024x1xf32>
    %div3A_36 = arith.divf %broadcast_in_dim3A_33, %div3A_35 : vector<1024x1xf32>
    %sub3A = vector.broadcast %div3A_36 : vector<1024x1xf32> to vector<1024x256xf32>
    %sub3A_37 = arith.subf %add3A_31, %sub3A : vector<1024x256xf32>
    %integer_pow3A = arith.mulf %sub3A_37, %sub3A_37 : vector<1024x256xf32>
    %reduce_sum3A_38 = arith.constant dense<0.000000e+00> : vector<1024xf32>
    %reduce_sum3A_39 = vector.multi_reduction <add>, %integer_pow3A, %reduce_sum3A_38 [1] : vector<1024x256xf32> to vector<1024xf32>
    %broadcast_in_dim3A_40 = vector.shape_cast %reduce_sum3A_39 : vector<1024xf32> to vector<1024x1xf32>
    %div3A_41 = arith.constant 2.560000e+02 : f32
    %div3A_42 = vector.broadcast %div3A_41 : f32 to vector<1024x1xf32>
    %div3A_43 = arith.divf %broadcast_in_dim3A_40, %div3A_42 : vector<1024x1xf32>
    %get3A_44 = arith.constant 0 : index
    %get3A_45 = arith.constant 0 : index
    %get3A_46 = vector.load %arg6[%get3A_44, %get3A_45] : memref<1x256xf32, #tpu.memory_space<vmem>>, vector<1x256xf32>
    %sub3A_47 = vector.broadcast %div3A_36 : vector<1024x1xf32> to vector<1024x256xf32>
    %sub3A_48 = arith.subf %add3A_31, %sub3A_47 : vector<1024x256xf32>
    %mul3A = vector.broadcast %get3A_46 : vector<1x256xf32> to vector<1024x256xf32>
    %mul3A_49 = arith.mulf %mul3A, %sub3A_48 : vector<1024x256xf32>
    %add3A_50 = arith.constant 9.99999974E-6 : f32
    %add3A_51 = vector.broadcast %add3A_50 : f32 to vector<1024x1xf32>
    %add3A_52 = arith.addf %div3A_43, %add3A_51 : vector<1024x1xf32>
    %sqrt3A = math.sqrt %add3A_52 : vector<1024x1xf32>
    %div3A_53 = vector.broadcast %sqrt3A : vector<1024x1xf32> to vector<1024x256xf32>
    %div3A_54 = arith.divf %mul3A_49, %div3A_53 : vector<1024x256xf32>
    %get3A_55 = arith.constant 0 : index
    %get3A_56 = arith.constant 0 : index
    %get3A_57 = vector.load %arg7[%get3A_55, %get3A_56] : memref<1x256xf32, #tpu.memory_space<vmem>>, vector<1x256xf32>
    %add3A_58 = vector.broadcast %get3A_57 : vector<1x256xf32> to vector<1024x256xf32>
    %add3A_59 = arith.addf %div3A_54, %add3A_58 : vector<1024x256xf32>
    %get3A_60 = arith.constant 0 : index
    %get3A_61 = arith.constant 0 : index
    %get3A_62 = memref.load %arg8[%get3A_60, %get3A_61] : memref<1x1xf32, #tpu.memory_space<smem>>
    %ge3A = arith.constant 0.000000e+00 : f32
    %ge3A_63 = vector.broadcast %ge3A : f32 to vector<1024x256xf32>
    %ge3A_64 = arith.cmpf oge, %add3A_59, %ge3A_63 : vector<1024x256xf32>
    %mul3A_65 = vector.broadcast %get3A_62 : f32 to vector<1024x256xf32>
    %mul3A_66 = arith.mulf %mul3A_65, %add3A_59 : vector<1024x256xf32>
    %select_n3A = arith.select %ge3A_64, %add3A_59, %mul3A_66 : vector<1024x256xi1>, vector<1024x256xf32>
    %get3A_67 = arith.constant 0 : index
    %get3A_68 = arith.constant 0 : index
    %get3A_69 = vector.load %arg9[%get3A_67, %get3A_68] : memref<256x128xf32, #tpu.memory_space<vmem>>, vector<256x128xf32>
    %dot_general3A_70 = arith.constant dense<0.000000e+00> : vector<1024x128xf32>
    %dot_general3A_71 = tpu.matmul %select_n3A, %get3A_69, %dot_general3A_70 {dimension_numbers = #tpu.dot_dimension_numbers<[1], [0], [0], [1], [0, 0, 1, 1], [], []>, transpose_lhs_hint = false} : vector<1024x256xf32>, vector<256x128xf32>, vector<1024x128xf32> -> vector<1024x128xf32>
    %get3A_72 = arith.constant 0 : index
    %get3A_73 = arith.constant 0 : index
    %get3A_74 = vector.load %arg10[%get3A_72, %get3A_73] : memref<1x128xf32, #tpu.memory_space<vmem>>, vector<1x128xf32>
    %add3A_75 = vector.broadcast %get3A_74 : vector<1x128xf32> to vector<1024x128xf32>
    %add3A_76 = arith.addf %dot_general3A_71, %add3A_75 : vector<1024x128xf32>
    %swap3A = arith.constant 0 : index
    %swap3A_77 = arith.constant 0 : index
    %swap3A_78 = vector.load %arg11[%swap3A, %swap3A_77] : memref<1024x128xf32, #tpu.memory_space<vmem>>, vector<1024x128xf32>
    tpu.vector_store %arg11[%swap3A, %swap3A_77], %add3A_76 {strides = array<i32>} : memref<1024x128xf32, #tpu.memory_space<vmem>>, vector<1024x128xf32>,
    return
  }
  func.func @transform_0(%arg0: i32) -> (i32, i32) {
    %c0_i32 = arith.constant 0 : i32
    %c0_i32_0 = arith.constant 0 : i32
    return %arg0, %c0_i32 : i32, i32
  }
  func.func @transform_1(%arg0: i32) -> (i32, i32, i32) {
    %c0_i32 = arith.constant 0 : i32
    %c0_i32_0 = arith.constant 0 : i32
    %c0_i32_1 = arith.constant 0 : i32
    return %c0_i32, %arg0, %c0_i32_0 : i32, i32, i32
  }
  func.func @transform_2(%arg0: i32) -> (i32, i32) {
    %c0_i32 = arith.constant 0 : i32
    %c0_i32_0 = arith.constant 0 : i32
    return %c0_i32, %arg0 : i32, i32
  }
  func.func @transform_3(%arg0: i32) -> (i32, i32) {
    %c0_i32 = arith.constant 0 : i32
    %c0_i32_0 = arith.constant 0 : i32
    %c0_i32_1 = arith.constant 0 : i32
    return %c0_i32, %c0_i32_0 : i32, i32
  }
  func.func @transform_4(%arg0: i32) -> (i32, i32) {
    %c0_i32 = arith.constant 0 : i32
    %c0_i32_0 = arith.constant 0 : i32
    %c0_i32_1 = arith.constant 0 : i32
    return %c0_i32, %c0_i32_0 : i32, i32
  }
  func.func @transform_5(%arg0: i32) -> (i32, i32) {
    %c0_i32 = arith.constant 0 : i32
    %c0_i32_0 = arith.constant 0 : i32
    %c0_i32_1 = arith.constant 0 : i32
    return %c0_i32, %c0_i32_0 : i32, i32
  }
  func.func @transform_6(%arg0: i32) -> (i32, i32) {
    %c0_i32 = arith.constant 0 : i32
    %c0_i32_0 = arith.constant 0 : i32
    %c0_i32_1 = arith.constant 0 : i32
    return %c0_i32, %c0_i32_0 : i32, i32
  }
  func.func @transform_7(%arg0: i32) -> (i32, i32) {
    %c0_i32 = arith.constant 0 : i32
    %c0_i32_0 = arith.constant 0 : i32
    %c0_i32_1 = arith.constant 0 : i32
    return %c0_i32, %c0_i32_0 : i32, i32
  }
  func.func @transform_8(%arg0: i32) -> (i32, i32) {
    %c0_i32 = arith.constant 0 : i32
    %c0_i32_0 = arith.constant 0 : i32
    %c0_i32_1 = arith.constant 0 : i32
    return %c0_i32, %c0_i32_0 : i32, i32
  }
  func.func @transform_9(%arg0: i32) -> (i32, i32) {
    %c0_i32 = arith.constant 0 : i32
    %c0_i32_0 = arith.constant 0 : i32
    %c0_i32_1 = arith.constant 0 : i32
    return %c0_i32, %c0_i32_0 : i32, i32
  }
  func.func @transform_10(%arg0: i32) -> (i32, i32) {
    %c0_i32 = arith.constant 0 : i32
    %c0_i32_0 = arith.constant 0 : i32
    return %arg0, %c0_i32 : i32, i32
  }
}

</mosaic_0001>

<sc_bundles>
// kernel: kernel.4.cloned.1.call-start
scs
__scs_entry_jumppad:
0x0: {  	(pc) =	sbr.rel $0x88, $3  }
0x1: {  	(tag) =	ssettag $0x0;
	lr =	simm.s32 $0x1  }
0x2: {  	[smem:$0x3F97] =	sst lr;
	_ =	strace $0xD0000000  }
0x3: {  	_ = 	snop  }
0x4: {  	_ = 	snop  }
0x5: {  	_ = 	snop  }
0x6: {  	_ = 	snop  }
0x7: {  	_ = 	snop  }
__scs_overlays_trampoline_lowered:
0x8: {  	[smem:$0x3FA6] =	sst s0  }
0x9: {  	[smem:$0x3FA7] =	sst s1  }
0xa: {  	[smem:$0x3FA8] =	sst s2  }
0xb: {  	[smem:$0x3FA9] =	sst s3  }
0xc: {  	[smem:$0x3FAA] =	sst s4  }
0xd: {  	[smem:$0x3FAB] =	sst s5  }
0xe: {  	[smem:$0x3FAC] =	sst s6  }
0xf: {  	[smem:$0x3FAD] =	sst s7  }
0x10: {  	[smem:$0x3FAE] =	sst s8  }
0x11: {  	[smem:$0x3FAF] =	sst s9;
	s0 =	simm.s32 @!p0 $0x0  }
0x12: {  	s1 =	sld [smem:$0x3F95];
	s0 =	simm.s32 @p0 $0x1  }
0x13: {  	[smem:$0x3FB0] =	sst s0;
	s0 =	simm.s32 @!p1 $0x0  }
0x14: {  	s2 =	sld [smem:$0x3F94];
	s0 =	simm.s32 @p1 $0x1  }
0x15: {  	[smem:$0x3FB1] =	sst s0;
	s0 =	simm.s32 @!p2 $0x0  }
0x16: {  	s3 =	sld [smem:$0x3FDB];
	s0 =	simm.s32 @p2 $0x1  }
0x17: {  	s4 =	simm.s32 $0x1BF5;
	[smem:$0x3FB3] =	sst s0  }
0x18: {  	s0 =	sld [smem:$0x3F96];
	_ =	swait.ge [sflag:s4], $0x0  }
0x19: {  	s7 =	sld [smem:$0x3F97]  }
0x1a: {  	s8 =	sadd.s32 $0xFFFFE003, lr  }
0x1b: {  	s9 =	sadd.s32 $0xFFFFFEF7, lr;
	s5 =	simm.s32 $0xFFFFFFFF;
	p2 =	slt.u32 s8, $0xFFFFF086  }
0x1c: {  	p1 =	slt.u32 s9, $0xF7A;
	s5 =	simm.s32 @!p2 $0x0  }
0x1d: {  	s5 =	simm.s32 @p1 $0x1;
	p0 =	seq.s32 s7, s2  }
0x1e: {  	s7 =	smul.u32 @!p0 $0xF7A, s2;
	p2 =	seq.s32 @!p0 s5, $0x0  }
0x1f: {  	s9 =	smul.u32 $0xF7A, s1;
	s8 =	simm.s32 @!p0 $0x1BF5;
	p2 =	por !p2, p0  }
0x20: {  	[sflag:s8] =	ssyncset.s32 @!p0 $0xFFFFF086;
	s6 =	sadd.s32 @!p0 s3, s7;
	s7 =	simm.s32 @!p0 $0x108  }
0x21: {  	s3 =	sadd.s32 s3, s9;
	s6 =	sadd.s32 @!p0 $0x88, s6;
	s7 =	simm.s32 @p2 $0x1082  }
0x22: {  	[simem:s7], [sflag:s8] =	dma.local @!p0 [hbm:s6], $0xF7A  }
0x23: {  	s9 =	sor.u32 $0xD0000000, s2;
	s6 =	simm.s32 $0x108;
	_ =	swait.ge @!p0 [sflag:s8], $0x0  }
0x24: {  	s3 =	sadd.s32 $0x88, s3;
	s6 =	simm.s32 @!p1 $0x1082;
	[sflag:s4] =	ssyncset.s32 $0xFFFFF086  }
0x25: {  	[simem:s6], [sflag:s4] =	dma.local [hbm:s3], $0xF7A  }
0x26: {  	[smem:$0x3F97] =	sst s1;
	(tag) =	ssettag s2;
	_ =	strace s9  }
0x27: {  	s1 =	sld [smem:$0x3FA7]  }
0x28: {  	s2 =	sld [smem:$0x3FA8]  }
0x29: {  	s4 =	sld [smem:$0x3FAA]  }
0x2a: {  	p0 =	seq.s32 s5, $0x0;
	s5 =	sld [smem:$0x3FAB]  }
0x2b: {  	s6 =	sld [smem:$0x3FAC]  }
0x2c: {  	s7 =	sld [smem:$0x3FAD]  }
0x2d: {  	s3 =	simm.s32 $0x108;
	s8 =	sld [smem:$0x3FAE]  }
0x2e: {  	s3 =	simm.s32 @!p0 $0x1082;
	s9 =	sld [smem:$0x3FAF]  }
0x2f: {  	lr =	sadd.s32 s0, s3;
	s0 =	sld [smem:$0x3FA6]  }
0x30: {  	s3 =	sld [smem:$0x3FA9]  }
0x31: {  	[smem:$0x3FB2] =	sst s10  }
0x32: {  	s10 =	sld [smem:$0x3FB0];
	_ =	sdelay $0x3  }
0x33: {  	p0 =	seq.s32 s10, $0x1;
	s10 =	sld [smem:$0x3FB2];
	_ =	sdelay $0x3  }
0x34: {  	[smem:$0x3FB2] =	sst s10  }
0x35: {  	s10 =	sld [smem:$0x3FB1];
	_ =	sdelay $0x3  }
0x36: {  	p1 =	seq.s32 s10, $0x1;
	s10 =	sld [smem:$0x3FB2];
	_ =	sdelay $0x3  }
0x37: {  	[smem:$0x3FB2] =	sst s10  }
0x38: {  	s10 =	sld [smem:$0x3FB3]  }
0x39: {  	_ = 	snop;
	(pc) =	sbr.ind lr, $3  }
0x3a: {  	_ = 	snop  }
0x3b: {  	_ = 	snop  }
0x3c: {  	p2 =	seq.s32 s10, $0x1;
	s10 =	sld [smem:$0x3FB2]  }
0x3d: {  	_ =	shalt  }
0x3e: {  	_ =	shalt  }
0x3f: {  	_ =	shalt  }
0x40: {  	_ =	shalt  }
0x41: {  	_ =	shalt  }
0x42: {  	_ =	shalt  }
0x43: {  	_ =	shalt  }
0x44: {  	_ =	shalt  }
0x45: {  	_ =	shalt  }
0x46: {  	_ =	shalt  }
0x47: {  	_ =	shalt  }
0x48: {  	_ =	shalt  }
0x49: {  	_ =	shalt  }
0x4a: {  	_ =	shalt  }
0x4b: {  	_ =	shalt  }
0x4c: {  	_ =	shalt  }
0x4d: {  	_ =	shalt  }
0x4e: {  	_ =	shalt  }
0x4f: {  	_ =	shalt  }
0x50: {  	_ =	shalt  }
0x51: {  	_ =	shalt  }
0x52: {  	_ =	shalt  }
0x53: {  	_ =	shalt  }
0x54: {  	_ =	shalt  }
0x55: {  	_ =	shalt  }
0x56: {  	_ =	shalt  }
0x57: {  	_ =	shalt  }
0x58: {  	_ =	shalt  }
0x59: {  	_ =	shalt  }
0x5a: {  	_ =	shalt  }
0x5b: {  	_ =	shalt  }
0x5c: {  	_ =	shalt  }
0x5d: {  	_ =	shalt  }
0x5e: {  	_ =	shalt  }
0x5f: {  	_ =	shalt  }
0x60: {  	_ =	shalt  }
0x61: {  	_ =	shalt  }
0x62: {  	_ =	shalt  }
0x63: {  	_ =	shalt  }
0x64: {  	_ =	shalt  }
0x65: {  	_ =	shalt  }
0x66: {  	_ =	shalt  }
0x67: {  	_ =	shalt  }
0x68: {  	_ =	shalt  }
0x69: {  	_ =	shalt  }
0x6a: {  	_ =	shalt  }
0x6b: {  	_ =	shalt  }
0x6c: {  	_ =	shalt  }
0x6d: {  	_ =	shalt  }
0x6e: {  	_ =	shalt  }
0x6f: {  	_ =	shalt  }
0x70: {  	_ =	shalt  }
0x71: {  	_ =	shalt  }
0x72: {  	_ =	shalt  }
0x73: {  	_ =	shalt  }
0x74: {  	_ =	shalt  }
0x75: {  	_ =	shalt  }
0x76: {  	_ =	shalt  }
0x77: {  	_ =	shalt  }
0x78: {  	_ =	shalt  }
0x79: {  	_ =	shalt  }
0x7a: {  	_ =	shalt  }
0x7b: {  	_ =	shalt  }
0x7c: {  	_ =	shalt  }
0x7d: {  	_ =	shalt  }
0x7e: {  	_ =	shalt  }
0x7f: {  	_ =	shalt  }
0x80: {  	_ =	shalt  }
0x81: {  	_ =	shalt  }
0x82: {  	_ =	shalt  }
0x83: {  	_ =	shalt  }
0x84: {  	_ =	shalt  }
0x85: {  	_ =	shalt  }
0x86: {  	_ =	shalt  }
0x87: {  	_ =	shalt  }
.Lfunc_end0:
.L_simem_size_0:
called_computation_lowered:
.L_overlay_start_0:
0x88: {  	s2 =	sld [smem:$0x3FD9]  }
0x89: {  	s3 =	sld [smem:$0x3FFE];
	_ =	sdelay $0x1  }
0x8a: {  	s1 =	srdreg.scid  }
0x8b: {  	s0 =	sand.u32 $0x1, s1  }
0x8c: {  	s17 =	sshll.u32 s0, $0xA;
	s2 =	sadd.s32 s3, s2  }
0x8d: {  	s2 =	sadd.s32 s2, s17  }
0x8e: {  	[smem:$0x3FBE] =	sst s2  }
0x8f: {  	_ = 	snop  }
0x90: {  	s2 =	sld [smem:$0x3FC7]  }
0x91: {  	s18 =	sld [smem:$0x3FD0];
	(tm) =	ssettm $0x1  }
0x92: {  	s4 =	sld [smem:$0x3FFB];
	_ =	sdelay $0x3  }
0x93: {  	_ =	strace s4  }
0x94: {  	s4 =	sld [smem:$0x3FFC];
	_ =	sdelay $0x3  }
0x95: {  	_ =	strace s4  }
0x96: {  	s4 =	sld [smem:$0x3FFD];
	_ =	sdelay $0x3  }
0x97: {  	_ =	strace s4  }
0x98: {  	_ =	strace $0x8FFFFFFF  }
0x99: {  	s19 =	sld [smem:$0x3FDB];
	_ =	sdelay $0x1  }
0x9a: {  	s5 =	simm.s32 $_scs_section_size  }
0x9b: {  	s6 =	simm.s32 $_size__tile_overlayer_lowered;
	s7 =	simm.s32 $_tile_overlayer_lowered  }
0x9c: {  	s22 =	simm.s32 $0x1BFF;
	s21 =	sshll.u32 s7, $0x1;
	s4 =	sadd.s32 s5, s19  }
0x9d: {  	s8 =	simm.s32 $0x0;
	s20 =	sshll.u32 s6, $0x1;
	s6 =	sadd.s32 s21, s4  }
0x9e: {  	[timem:s8], [sflag:s22] =	dma.local [hbm:s6], s20  }
0x9f: {  	_ =	swait.ge [sflag:s22], s20  }
0xa0: {  	s5 =	ssub.s32 $0x0, s20;
	[sflag:s22] =	ssyncset.done $0x0  }
0xa1: {  	[sflag:s22] =	ssyncadd.s32 s5;
	_ =	sdelay $0x1  }
0xa2: {  	s23 =	simm.s32 $0x1B8B  }
0xa3: {  	_ =	swait.ge [sflag:s23], $0x1  }
0xa4: {  	[sflag:s23] =	ssyncset.done $0x0  }
0xa5: {  	s25 =	simm.s32 $0x1B8E;
	s24 =	sld [smem:$0x3FFE];
	[sflag:s23] =	ssyncadd.s32 $0xFFFFFFFF  }
0xa6: {  	s26 =	simm.s32 $execute0_lowered;
	[smem:$0x3FD2] =	sst s25  }
0xa7: {  	s6 =	sshll.u32 s26, $0x1;
	_ =	strace $0x80000046;
	[dreg:$0x1] =	wrdreg $0xFFFFFFFF  }
0xa8: {  	s28 =	simm.s32 $_size_execute0_lowered;
	s4 =	sadd.s32 s4, s6;
	[dreg:$0x0] =	wrdreg $0x0  }
0xa9: {  	s6 =	sshll.u32 s28, $0x1;
	[dreg:$0x2] =	wrdreg s4  }
0xaa: {  	[dreg:$0x3] =	wrdreg s6  }
0xab: {  	[dreg:$0x4] =	wrdreg $0xC0  }
0xac: {  	_ =	task [dreg:s8], $0x5FFFF  }
0xad: {  	[dreg:$0x1] =	wrdreg $0xFFFFFFFF  }
0xae: {  	[dreg:$0x0] =	wrdreg $0x60  }
0xaf: {  	[dreg:$0x2] =	wrdreg s18  }
0xb0: {  	[dreg:$0x3] =	wrdreg s2  }
0xb1: {  	[dreg:$0x4] =	wrdreg s24  }
0xb2: {  	[dreg:$0x5] =	wrdreg $0xA2800  }
0xb3: {  	[dreg:$0x6] =	wrdreg $0x1DE800  }
0xb4: {  	[dreg:$0x7] =	wrdreg $0x9  }
0xb5: {  	_ =	task.clear_ibuf [dreg:s8], $0x8FFFF;
	_ =	strace $0x90000046  }
0xb6: {  	s29 =	simm.s32 $0x9;
	_ =	strace $0x80000048  }
0xb7: {  	_ =	swait.ge [sflag:s29], $0x1  }
0xb8: {  	[sflag:s29] =	ssyncadd.s32 $0xFFFFFFFF  }
0xb9: {  	_ =	strace $0x90000048  }
0xba: {  	_ =	sfence  }
0xbb: {  	s30 =	sld [smem:$0x0];
	_ =	sdelay $0x2  }
0xbc: {  	s31 =	sshll.u32 s1, $0xD;
	s1 =	sshrl.u32 s1, $0x2  }
0xbd: {  	s3 =	sand.u32 $0x4000, s31;
	s1 =	sadd.s32 s1, s30  }
0xbe: {  	s0 =	sor.u32 s3, s0;
	s1 =	sshll.u32 s1, $0x11  }
0xbf: {  	s0 =	sor.u32 s1, s0  }
0xc0: {  	s0 =	sadd.s32 $0x8F2B, s0  }
0xc1: {  	[sflag:s0] =	ssyncadd.remote.s32 $0x1  }
0xc2: {  	_ =	sfence.sel $0xFFFF  }
0xc3: {  	[dreg:$0x0] =	wrdreg $0xFFFFFFFF;
	(pc) =	sbr.abs _section_cstart, $3  }
0xc4: {  	[dreg:$0x1] =	wrdreg $0xFFFFFFFF  }
0xc5: {  	_ =	task.clear_ibuf [dreg:s8], $0x2FFFF;
	_ =	strace $0x9FFFFFFF  }
0xc6: {  	(tm) =	ssettm $0x7FFFFFFF  }
0xc7: {  	_ =	shalt  }
tec
execute0_lowered:
.L_overlay_start_1:
0x0: {  	(tag) =	ssettag $0x1  }
0x1: {  	s0 =	rddreg [dreg:$0x0]  }
0x2: {  	s1 =	rddreg [dreg:$0x1]  }
0x3: {  	s5 =	rddreg [dreg:$0x2]  }
0x4: {  	s2 =	rddreg [dreg:$0x3];
	s17 =	stileid.u32  }
0x5: {  	s3 =	rddreg [dreg:$0x4];
	s6 =	smul.u32 $0x13C00, s17  }
0x6: {  	s7 =	srdreg.scid;
	s4 =	simm.s32 $0x0;
	s8 =	smul.u32 $0x280, s17  }
0x7: {  	s29 =	simm.s32 $0x11;
	s30 =	simm.s32 $0x5;
	s18 =	smul.u32 $0x500, s17  }
0x8: {  	s31 =	simm.s32 $0x1;
	s7 =	sand.u32 $0x1, s7;
	s23 =	smul.u32 $0x4F000, s17  }
0x9: {  	[smem:$0x7FF] =	sst s4;
	s9 =	smul.u32 $0x13C000, s7;
	s12 =	sshll.u32 s7, $0x4  }
0xa: {  	_ =	strace $0x80000047;
	s13 =	sshll.u32 s7, $0x7;
	s12 =	sor.u32 s17, s12  }
0xb: {  	s19 =	ssub.s32 $0x2, s7;
	s10 =	sshrl.u32 s6, $0x3;
	s14 =	smul.u32 $0x2710, s12  }
0xc: {  	s11 =	sshrl.u32 s8, $0x3;
	s15 =	sshrl.u32 s19, $0x1;
	s16 =	smul.u32 $0x138800, s12  }
0xd: {  	s8 =	sadd.s32 s8, s3;
	s10 =	sadd.s32 s10, s5;
	s12 =	smul.u32 $0x27100, s12  }
0xe: {  	s6 =	sadd.s32 s6, s9;
	s9 =	sor.u32 s13, s18;
	s18 =	smul.u32 $0x271000, s7  }
0xf: {  	s11 =	sadd.s32 s11, s5;
	s13 =	sshrl.u32 s23, $0x2;
	s7 =	smul.u32 $0x27100, s7  }
0x10: {  	[dreg:$0xe] =	wrdreg s8;
	s8 =	simm.s32 $0x4;
	s6 =	sshrl.u32 s6, $0x3  }
0x11: {  	s9 =	sshrl.u32 s9, $0x3;
	s10 =	sadd.s32 $0x2000, s10;
	s6 =	sadd.s32 s6, s5  }
0x12: {  	s5 =	sadd.s32 s9, s5;
	s9 =	ssub.s32 s19, s15;
	s20 =	sshrl.u32 s14, $0x3  }
0x13: {  	s21 =	sshrl.u32 s16, $0x3;
	s12 =	sadd.s32 s1, s12;
	[dreg:$0xd] =	wrdreg s10  }
0x14: {  	s16 =	sshll.u32 s17, $0x6;
	s19 =	sadd.s32 $0x29800, s11;
	[dreg:$0x7] =	wrdreg s12  }
0x15: {  	s10 =	simm.s32 $0xA100;
	s12 =	sadd.s32 s13, s2;
	[dreg:$0xf] =	wrdreg s19  }
0x16: {  	s11 =	simm.s32 $0x5000;
	s6 =	sadd.s32 $0x29E00, s6;
	[dreg:$0xc] =	wrdreg s12  }
0x17: {  	s14 =	sadd.s32 s0, s20;
	s5 =	sadd.s32 $0x78E00, s5;
	[dreg:$0x12] =	wrdreg s6  }
0x18: {  	s15 =	sadd.s32 s1, s21;
	s22 =	sadd.s32 $0x9C40, s14;
	[dreg:$0x13] =	wrdreg s5  }
0x19: {  	s13 =	sor.u32 $0x1C11, s16;
	s24 =	sadd.s32 $0x9C4A, s14;
	[dreg:$0x6] =	wrdreg s22  }
0x1a: {  	s20 =	smul.u32 $0x2710, s17;
	s25 =	sadd.s32 $0x500, s15;
	[dreg:$0x8] =	wrdreg s24  }
0x1b: {  	s1 =	sadd.s32 s18, s1;
	s26 =	sadd.s32 $0x9C54, s14;
	[dreg:$0x9] =	wrdreg s25  }
0x1c: {  	s18 =	simm.s32 $0x0;
	s28 =	sadd.s32 $0xA00, s15;
	[dreg:$0xa] =	wrdreg s26  }
0x1d: {  	s21 =	sadd.s32 $0x9C5E, s14;
	s23 =	sadd.s32 $0xF00, s15;
	[dreg:$0xb] =	wrdreg s28  }
0x1e: {  	s12 =	simm.s32 $0xA180;
	s14 =	simm.s32 $0x7800;
	[dreg:$0x10] =	wrdreg s21  }
0x1f: {  	s15 =	simm.s32 $0x10;
	s22 =	smul.u32 $0x27100, s17;
	[dreg:$0x11] =	wrdreg s23  }
0x20: {  	s24 =	sadd.s32 s20, s7;
	s26 =	smax.u32 s9, $0x1;
	s23 =	simm.s32 $0xA000  }
0x21: {  	s17 =	simm.s32 $0xD;
	s25 =	sadd.s32 $0x4E340, s24;
	s1 =	sadd.s32 s22, s1  }
0x22: {  	[dreg:$0x14] =	wrdreg s26;
	s28 =	sshrl.u32 s25, $0x3;
	s6 =	sadd.s32 $0x1400, s1  }
0x23: {  	v0 =	vimm.f32 $1.000000000e+00;
	s5 =	sadd.s32 s28, s0;
	s0 =	simm.s32 $0x50;
	s1 =	simm.s32 $0xA200  }
.LBB2_1:
0x24: {  	[tilespmem:$0xA200] =	vst v0  }
0x25: {  	[tilespmem:$0xA210] =	vst v0  }
0x26: {  	[tilespmem:$0xA220] =	vst v0;
	s7 =	rddreg [dreg:$0x6]  }
0x27: {  	[tilespmem:$0xA230] =	vst v0;
	s16 =	rddreg [dreg:$0x7]  }
0x28: {  	[tilespmem:$0xA240] =	vst v0;
	s19 =	rddreg [dreg:$0x8]  }
0x29: {  	[tilespmem:s23], [sflag:$0x5] =	stream.linear.gather [hbm4b:s7+s4], $0x50, $0x38;
	[tilespmem:$0x1E100] =	vst v63  }
0x2a: {  	s20 =	rddreg [dreg:$0x9]  }
0x2b: {  	[tilespmem:s4], [sflag:$0x1] =	stream.linear.gather [hbm4b:s16+s4], $0x2800, $0x38;
	[tilespmem:$0x1E100] =	vst v63  }
0x2c: {  	s9 =	simm.s32 $0xA080;
	s22 =	rddreg [dreg:$0xa]  }
0x2d: {  	[tilespmem:s9], [sflag:$0x6] =	stream.linear.gather [hbm4b:s19+s4], $0x50, $0x38;
	[tilespmem:$0x1E100] =	vst v63  }
0x2e: {  	s21 =	simm.s32 $0x2800;
	s24 =	rddreg [dreg:$0xb]  }
0x2f: {  	[tilespmem:s21], [sflag:$0x2] =	stream.linear.gather [hbm4b:s20+s4], $0x2800, $0x38;
	[tilespmem:$0x1E100] =	vst v63  }
0x30: {  	s25 =	rddreg [dreg:$0xc]  }
0x31: {  	[tilespmem:s10], [sflag:$0x7] =	stream.linear.gather [hbm4b:s22+s4], $0x50, $0x38;
	[tilespmem:$0x1E100] =	vst v63  }
0x32: {  	s26 =	rddreg [dreg:$0xd];
	s19 =	sshrl.u32 s25, $0x3  }
0x33: {  	[tilespmem:s11], [sflag:$0x3] =	stream.linear.gather [hbm4b:s24+s4], $0x2800, $0x38;
	[tilespmem:$0x1E100] =	vst v63  }
0x34: {  	[spmem:s19], [sflag:s13] =	dma.local [hbm:s26], $0x2780  }
0x35: {  	_ =	swait.ge [sflag:s29], $0x2780  }
0x36: {  	[sflag:s29] =	ssyncset.done $0x0;
	s9 =	rddreg [dreg:$0xe]  }
0x37: {  	s10 =	rddreg [dreg:$0xf];
	[sflag:s29] =	ssyncadd.s32 $0xFFFFD880;
	s20 =	sshrl.u32 s9, $0x3  }
0x38: {  	[spmem:s20], [sflag:s13] =	dma.local [hbm:s10], $0x50  }
0x39: {  	_ =	swait.ge [sflag:s29], $0x50  }
0x3a: {  	[sflag:s29] =	ssyncset.done $0x0  }
0x3b: {  	[sflag:s29] =	ssyncadd.s32 $0xFFFFFFB0  }
0x3c: {  	[bflag:$0x0] =	sbarrier.arrive $0xFFFF  }
0x3d: {  	_ =	swait.ge [sflag:s30], $0x50  }
0x3e: {  	[sflag:s30] =	ssyncset.done $0x0  }
0x3f: {  	[sflag:s30] =	ssyncadd.s32 $0xFFFFFFB0  }
0x40: {  	_ =	swait.ge [sflag:s31], $0x2800  }
0x41: {  	[sflag:s31] =	ssyncset.done $0x0  }
0x42: {  	[sflag:s31] =	ssyncadd.s32 $0xFFFFD800  }
0x43: {  	[spmem:s2] =	stream.indirect.scatter.add.f32 [tilespmem:s4], [sflag:$0x9], $0x80, s23, s0, $0xb8;
	[tilespmem:$0x1E100] =	vst v63  }
0x44: {  	s16 =	simm.s32 $0x1  }
0x45: {  	[spmem:s3] =	stream.indirect.scatter.add.f32 [tilespmem:s1], [sflag:$0xD], $0x1, s23, s0, $0xb8;
	[tilespmem:$0x1E100] =	vst v63  }
0x46: {  	s7 =	sand.u32 $0x3, s16;
	s11 =	rddreg [dreg:$0x10]  }
0x47: {  	[tilespmem:s12], [sflag:$0x8] =	stream.linear.gather [hbm4b:s11+s4], $0x50, $0x38;
	[tilespmem:$0x1E100] =	vst v63  }
0x48: {  	s21 =	sadd.s32 $0x5, s7;
	s12 =	rddreg [dreg:$0x11]  }
0x49: {  	[tilespmem:s14], [sflag:$0x4] =	stream.linear.gather [hbm4b:s12+s4], $0x2800, $0x38;
	[tilespmem:$0x1E100] =	vst v63  }
0x4a: {  	_ =	swait.ge [sflag:s21], $0x50  }
0x4b: {  	[sflag:s21] =	ssyncset.done $0x0  }
0x4c: {  	s22 =	sadd.s32 $0x1, s7;
	[sflag:s21] =	ssyncadd.s32 $0xFFFFFFB0  }
0x4d: {  	s24 =	smul.u32 $0xA000, s7;
	_ =	swait.ge [sflag:s22], $0x2800  }
0x4e: {  	s25 =	sshll.u32 s7, $0x7;
	s26 =	sadd.s32 $0x9, s7;
	[sflag:s22] =	ssyncset.done $0x0  }
0x4f: {  	s10 =	sshrl.u32 s24, $0x2;
	s11 =	sor.u32 $0xA000, s25;
	[sflag:s22] =	ssyncadd.s32 $0xFFFFD800  }
0x50: {  	[spmem:s2] =	stream.indirect.scatter.add.f32 [tilespmem:s10], [sflag:s26], $0x80, s11, s0, $0xb8;
	[tilespmem:$0x1E100] =	vst v63  }
0x51: {  	s28 =	sadd.s32 $0xA, s5;
	s7 =	sadd.s32 $0xD, s7;
	s12 =	sand.u32 $0x3, s8  }
0x52: {  	[spmem:s3] =	stream.indirect.scatter.add.f32 [tilespmem:s1], [sflag:s7], $0x1, s11, s0, $0xb8;
	[tilespmem:$0x1E100] =	vst v63  }
0x53: {  	s16 =	simm.s32 $0x2;
	s14 =	smul.u32 $0xA000, s12;
	s11 =	sadd.s32 $0x9, s12  }
0x54: {  	s24 =	simm.s32 $0x6;
	s25 =	sadd.s32 $0x500, s6;
	_ =	swait.ge [sflag:s11], $0x2800  }
0x55: {  	s21 =	sshll.u32 s12, $0x7;
	s9 =	sshrl.u32 s14, $0x2;
	[sflag:s11] =	ssyncset.done $0x0  }
0x56: {  	s22 =	sadd.s32 $0xD, s12;
	s26 =	simm.s32 $0x5;
	[sflag:s11] =	ssyncadd.s32 $0xFFFFD800  }
0x57: {  	s10 =	sadd.s32 $0x1, s12;
	s7 =	sand.u32 $0x3, s16;
	_ =	swait.ge [sflag:s22], $0x50  }
0x58: {  	s11 =	sadd.s32 $0x5, s12;
	s12 =	sor.u32 $0xA000, s21;
	[sflag:s22] =	ssyncset.done $0x0  }
0x59: {  	s21 =	smov.u32 s6;
	[sflag:s22] =	ssyncadd.s32 $0xFFFFFFB0;
	s22 =	smov.u32 s5  }
.LBB2_2:
0x5a: {  	[tilespmem:s12], [sflag:s11] =	stream.linear.gather [hbm4b:s22+s4], $0x50, $0x38;
	[tilespmem:$0x1E100] =	vst v63  }
0x5b: {  	s11 =	smov.u32 s24;
	s22 =	smov.u32 s28  }
0x5c: {  	s12 =	sadd.s32 $0x5, s7;
	s14 =	sshll.u32 s7, $0x7;
	s16 =	smul.u32 $0xA000, s7  }
0x5d: {  	[tilespmem:s9], [sflag:s10] =	stream.linear.gather [hbm4b:s21+s4], $0x2800, $0x38;
	[tilespmem:$0x1E100] =	vst v63  }
0x5e: {  	p0 =	sne.s32 s24, $0x7C;
	s24 =	sadd.s32 $0x1, s24;
	_ =	swait.ge [sflag:s12], $0x50  }
0x5f: {  	s21 =	smov.u32 s25;
	[sflag:s12] =	ssyncset.done $0x0  }
0x60: {  	s9 =	sadd.s32 $0x1, s7;
	[sflag:s12] =	ssyncadd.s32 $0xFFFFFFB0  }
0x61: {  	_ =	swait.ge [sflag:s9], $0x2800  }
0x62: {  	s10 =	sadd.s32 $0x9, s7;
	[sflag:s9] =	ssyncset.done $0x0  }
0x63: {  	s12 =	sor.u32 $0xA000, s14;
	s14 =	sshrl.u32 s16, $0x2;
	[sflag:s9] =	ssyncadd.s32 $0xFFFFD800  }
0x64: {  	[spmem:s2] =	stream.indirect.scatter.add.f32 [tilespmem:s14], [sflag:s10], $0x80, s12, s0, $0xb8;
	[tilespmem:$0x1E100] =	vst v63  }
0x65: {  	s7 =	sadd.s32 $0xD, s7;
	s14 =	sand.u32 $0x3, s26;
	s26 =	smov.u32 s11  }
0x66: {  	[spmem:s3] =	stream.indirect.scatter.add.f32 [tilespmem:s1], [sflag:s7], $0x1, s12, s0, $0xb8;
	[tilespmem:$0x1E100] =	vst v63  }
0x67: {  	s9 =	sadd.s32 $0x9, s14;
	s7 =	smul.u32 $0xA000, s14;
	s12 =	sshll.u32 s14, $0x7  }
0x68: {  	_ =	swait.ge [sflag:s9], $0x2800  }
.Ltmp0:
0x69: {  	s28 =	sadd.s32 $0xA, s28;
	[sflag:s9] =	ssyncset.done $0x0;
	(pc) =	sbr.rel @p0 .LBB2_2-.Ltmp0, $4  }
0x6a: {  	s25 =	sadd.s32 $0x500, s25;
	s16 =	sadd.s32 $0xD, s14;
	[sflag:s9] =	ssyncadd.s32 $0xFFFFD800  }
0x6b: {  	s10 =	sadd.s32 $0x1, s14;
	s9 =	sshrl.u32 s7, $0x2;
	_ =	swait.ge [sflag:s16], $0x50  }
0x6c: {  	s11 =	sadd.s32 $0x5, s14;
	s7 =	sadd.s32 $0xFFFFFFFD, s26;
	[sflag:s16] =	ssyncset.done $0x0  }
0x6d: {  	s12 =	sor.u32 $0xA000, s12;
	s7 =	sand.u32 $0x3, s7;
	[sflag:s16] =	ssyncadd.s32 $0xFFFFFFB0  }
0x6e: {  	[tilespmem:s12], [sflag:s11] =	stream.linear.gather [hbm4b:s22+s4], $0x50, $0x38;
	[tilespmem:$0x1E100] =	vst v63  }
0x6f: {  	s12 =	sadd.s32 $0x5, s7  }
0x70: {  	[tilespmem:s9], [sflag:s10] =	stream.linear.gather [hbm4b:s21+s4], $0x2800, $0x38;
	[tilespmem:$0x1E100] =	vst v63  }
0x71: {  	_ =	swait.ge [sflag:s12], $0x50  }
0x72: {  	[sflag:s12] =	ssyncset.done $0x0  }
0x73: {  	s14 =	sadd.s32 $0x1, s7;
	[sflag:s12] =	ssyncadd.s32 $0xFFFFFFB0  }
0x74: {  	s16 =	smul.u32 $0xA000, s7;
	s22 =	sadd.s32 $0x9, s7;
	_ =	swait.ge [sflag:s14], $0x2800  }
0x75: {  	s26 =	sand.u32 $0x3, s26;
	s21 =	sshll.u32 s7, $0x7;
	[sflag:s14] =	ssyncset.done $0x0  }
0x76: {  	s10 =	sshrl.u32 s16, $0x2;
	s11 =	sor.u32 $0xA000, s21;
	[sflag:s14] =	ssyncadd.s32 $0xFFFFD800  }
0x77: {  	[spmem:s2] =	stream.indirect.scatter.add.f32 [tilespmem:s10], [sflag:s22], $0x80, s11, s0, $0xb8;
	[tilespmem:$0x1E100] =	vst v63  }
0x78: {  	s24 =	sadd.s32 $0xD, s7;
	s10 =	sadd.s32 $0x9, s26  }
0x79: {  	[spmem:s3] =	stream.indirect.scatter.add.f32 [tilespmem:s1], [sflag:s24], $0x1, s11, s0, $0xb8;
	[tilespmem:$0x1E100] =	vst v63  }
0x7a: {  	_ =	swait.ge [sflag:s10], $0x2800  }
0x7b: {  	[sflag:s10] =	ssyncset.done $0x0  }
0x7c: {  	s11 =	sadd.s32 $0xD, s26;
	[sflag:s10] =	ssyncadd.s32 $0xFFFFD800  }
0x7d: {  	_ =	swait.ge [sflag:s11], $0x50  }
0x7e: {  	s16 =	sadd.s32 $0x5, s26;
	s14 =	sshll.u32 s26, $0x7;
	[sflag:s11] =	ssyncset.done $0x0  }
0x7f: {  	s12 =	smul.u32 $0xA000, s26;
	[sflag:s11] =	ssyncadd.s32 $0xFFFFFFB0;
	s11 =	sor.u32 $0xA000, s14  }
0x80: {  	[tilespmem:s11], [sflag:s16] =	stream.linear.gather [hbm4b:s28+s4], $0x50, $0x38;
	[tilespmem:$0x1E100] =	vst v63  }
0x81: {  	s9 =	sadd.s32 $0x1, s26;
	s21 =	sshrl.u32 s12, $0x2;
	s22 =	simm.s32 $0x7  }
0x82: {  	[tilespmem:s21], [sflag:s9] =	stream.linear.gather [hbm4b:s25+s4], $0x2800, $0x38;
	[tilespmem:$0x1E100] =	vst v63  }
0x83: {  	_ =	swait.ge [sflag:s22], $0x50  }
0x84: {  	[sflag:s22] =	ssyncset.done $0x0  }
0x85: {  	s24 =	simm.s32 $0x3;
	[sflag:s22] =	ssyncadd.s32 $0xFFFFFFB0  }
0x86: {  	_ =	swait.ge [sflag:s24], $0x2800  }
0x87: {  	[sflag:s24] =	ssyncset.done $0x0  }
0x88: {  	s10 =	simm.s32 $0xA100;
	s11 =	simm.s32 $0x5000;
	[sflag:s24] =	ssyncadd.s32 $0xFFFFD800  }
0x89: {  	[spmem:s2] =	stream.indirect.scatter.add.f32 [tilespmem:s11], [sflag:$0xB], $0x80, s10, s0, $0xb8;
	[tilespmem:$0x1E100] =	vst v63  }
0x8a: {  	s25 =	simm.s32 $0x8  }
0x8b: {  	[spmem:s3] =	stream.indirect.scatter.add.f32 [tilespmem:s1], [sflag:$0xF], $0x1, s10, s0, $0xb8;
	[tilespmem:$0x1E100] =	vst v63  }
0x8c: {  	_ =	swait.ge [sflag:s25], $0x50  }
0x8d: {  	[sflag:s25] =	ssyncset.done $0x0  }
0x8e: {  	[sflag:s25] =	ssyncadd.s32 $0xFFFFFFB0  }
0x8f: {  	_ =	swait.ge [sflag:s8], $0x2800  }
0x90: {  	[sflag:s8] =	ssyncset.done $0x0  }
0x91: {  	s12 =	simm.s32 $0xA180;
	s14 =	simm.s32 $0x7800;
	[sflag:s8] =	ssyncadd.s32 $0xFFFFD800  }
0x92: {  	[spmem:s2] =	stream.indirect.scatter.add.f32 [tilespmem:s14], [sflag:$0xC], $0x80, s12, s0, $0xb8;
	[tilespmem:$0x1E100] =	vst v63  }
0x93: {  	_ = 	snop  }
0x94: {  	[spmem:s3] =	stream.indirect.scatter.add.f32 [tilespmem:s1], [sflag:$0x10], $0x1, s12, s0, $0xb8;
	[tilespmem:$0x1E100] =	vst v63  }
0x95: {  	_ =	swait.ge [sflag:s30], $0x50  }
0x96: {  	[sflag:s30] =	ssyncset.done $0x0  }
0x97: {  	[sflag:s30] =	ssyncadd.s32 $0xFFFFFFB0  }
0x98: {  	_ =	swait.ge [sflag:s31], $0x2800  }
0x99: {  	[sflag:s31] =	ssyncset.done $0x0  }
0x9a: {  	[sflag:s31] =	ssyncadd.s32 $0xFFFFD800  }
0x9b: {  	[spmem:s2] =	stream.indirect.scatter.add.f32 [tilespmem:s4], [sflag:$0x9], $0x80, s23, s0, $0xb8;
	[tilespmem:$0x1E100] =	vst v63  }
0x9c: {  	s26 =	simm.s32 $0xA  }
0x9d: {  	[spmem:s3] =	stream.indirect.scatter.add.f32 [tilespmem:s1], [sflag:$0xD], $0x1, s23, s0, $0xb8;
	[tilespmem:$0x1E100] =	vst v63  }
0x9e: {  	_ =	swait.ge [sflag:s26], $0x2800  }
0x9f: {  	[sflag:s26] =	ssyncset.done $0x0  }
0xa0: {  	s28 =	simm.s32 $0xE;
	[sflag:s26] =	ssyncadd.s32 $0xFFFFD800  }
0xa1: {  	_ =	swait.ge [sflag:s28], $0x50  }
0xa2: {  	[sflag:s28] =	ssyncset.done $0x0  }
0xa3: {  	s9 =	simm.s32 $0xB;
	[sflag:s28] =	ssyncadd.s32 $0xFFFFFFB0  }
0xa4: {  	_ =	swait.ge [sflag:s9], $0x2800  }
0xa5: {  	[sflag:s9] =	ssyncset.done $0x0  }
0xa6: {  	s16 =	simm.s32 $0xF;
	[sflag:s9] =	ssyncadd.s32 $0xFFFFD800  }
0xa7: {  	_ =	swait.ge [sflag:s16], $0x50  }
0xa8: {  	[sflag:s16] =	ssyncset.done $0x0  }
0xa9: {  	s21 =	simm.s32 $0xC;
	[sflag:s16] =	ssyncadd.s32 $0xFFFFFFB0  }
0xaa: {  	_ =	swait.ge [sflag:s21], $0x2800  }
0xab: {  	[sflag:s21] =	ssyncset.done $0x0  }
0xac: {  	[sflag:s21] =	ssyncadd.s32 $0xFFFFD800  }
0xad: {  	_ =	swait.ge [sflag:s15], $0x50  }
0xae: {  	[sflag:s15] =	ssyncset.done $0x0  }
0xaf: {  	s22 =	simm.s32 $0x9;
	[sflag:s15] =	ssyncadd.s32 $0xFFFFFFB0  }
0xb0: {  	_ =	swait.ge [sflag:s22], $0x2800  }
0xb1: {  	[sflag:s22] =	ssyncset.done $0x0  }
0xb2: {  	[sflag:s22] =	ssyncadd.s32 $0xFFFFD800  }
0xb3: {  	_ =	swait.ge [sflag:s17], $0x50  }
0xb4: {  	[sflag:s17] =	ssyncset.done $0x0  }
0xb5: {  	[sflag:s17] =	ssyncadd.s32 $0xFFFFFFB0  }
0xb6: {  	[bflag:$0x0] =	sbarrier.arrive $0xFFFF  }
0xb7: {  	s24 =	rddreg [dreg:$0x12]  }
0xb8: {  	[hbm:s24], [sflag:s13] =	dma.local [spmem:s19], $0x2780  }
0xb9: {  	_ =	swait.ge [sflag:s29], $0x2780  }
0xba: {  	[sflag:s29] =	ssyncset.done $0x0  }
0xbb: {  	s26 =	simm.s32 $0x20;
	s25 =	rddreg [dreg:$0x13];
	[sflag:s29] =	ssyncadd.s32 $0xFFFFD880  }
0xbc: {  	[hbm:s25@s26], [sflag:s13] =	dma.strided [spmem:s20@s15], $0x50, s31, $0x10   }
0xbd: {  	_ =	swait.ge [sflag:s29], $0x50  }
0xbe: {  	s18 =	sadd.s32 $0x1, s18;
	s28 =	rddreg [dreg:$0x14]  }
0xbf: {  	p0 =	sne.s32 s18, s28  }
.Ltmp1:
0xc0: {  	_ = 	snop;
	(pc) =	sbr.rel @p0 .LBB2_1-.Ltmp1, $3  }
0xc1: {  	_ =	sdelay $0x1  }
0xc2: {  	[sflag:s29] =	ssyncset.done $0x0  }
0xc3: {  	[sflag:s29] =	ssyncadd.s32 $0xFFFFFFB0  }
0xc4: {  	_ =	sfence.sel $0x180000  }
0xc5: {  	[bflag:$0x0] =	sbarrier.arrive $0xFFFF  }
0xc6: {  	_ =	strace $0x90000047  }
0xc7: {  	s0 =	stileid.u32;
	[bflag:$0x2] =	sbarrier.arrive $0xFFFF  }
0xc8: {  	p0 =	sne.s32 s0, $0x0;
	s0 =	rddreg [dreg:$0x5]  }
0xc9: {  	s0 =	sadd.s32 @!p0 $0x100000, s0  }
0xca: {  	[sflag:s0] =	ssyncadd.tile.s32 @!p0 $0x1;
	_ =	shalt  }
.Lfunc_end2:
_tile_overlayer_lowered:
.L_overlay_start_2:
0xcb: {  	(tag) =	ssettag $0x2  }
0xcc: {  	s0 =	rddreg [dreg:$0x0];
	s2 =	stileid.u32  }
0xcd: {  	s1 =	rddreg [dreg:$0x1];
	p0 =	sne.s32 s2, $0x0  }
0xce: {  	s3 =	rddreg [dreg:$0x2];
	[bflag:$0x3] =	sbarrier.arrive $0xFFFF;
	s2 =	simm.s32 @!p0 $0x1C11  }
0xcf: {  	[timem:s3], [sflag:s2] =	dma.local @!p0 [hbm:s0], s1  }
0xd0: {  	s0 =	simm.s32 @!p0 $0x11  }
0xd1: {  	_ =	swait.ge @!p0 [sflag:s0], s1  }
0xd2: {  	s1 =	ssub.s32 @!p0 $0x0, s1;
	[sflag:s0] =	ssyncset.done @!p0 $0x0  }
0xd3: {  	[sflag:s0] =	ssyncadd.s32 @!p0 s1  }
0xd4: {  	[bflag:$0x3] =	sbarrier.arrive $0xFFFF  }
0xd5: {  	_ =	shalt  }

</sc_bundles>
